<compile_context>
chip_gen: v7x
topology: tpu7x:2x2x1
jax: 0.10.2.dev20260603
libtpu: 0.0.44.dev20260713+nightly
codegen_flags: <defaults>
</compile_context>

<pallas_src>
import functools

import jax
import jax.numpy as jnp
from jax import lax
from jax.experimental import pallas as pl
from jax.experimental.pallas import tpu as pltpu
from jax.experimental.pallas import tpu_sc as plsc

NC = 2
NS = 16
LANES = 16
NW = NC * NS

VOCAB = 16
D_MODEL = 256
D_OUT = 2 * D_MODEL

IDS_STAGE = 8192
WAVE = 16


def _lookup(weight_flat, cmap, ids_flat, n_tokens):
    n_half = n_tokens // 2
    n_stages = n_half // IDS_STAGE
    mesh = plsc.VectorSubcoreMesh(core_axis_name="c", subcore_axis_name="s")

    @functools.partial(
        pl.kernel,
        mesh=mesh,
        out_type=jax.ShapeDtypeStruct((n_tokens, D_OUT), jnp.float32),
        compiler_params=pltpu.CompilerParams(needs_layout_passes=False),
        scratch_types=[
            pltpu.VMEM((VOCAB,), jnp.int32),
            pltpu.VMEM((VOCAB * D_MODEL,), jnp.float32),
            pltpu.VMEM((WAVE, D_OUT), jnp.float32),
            pltpu.VMEM((IDS_STAGE,), jnp.int32),
            pltpu.VMEM((n_half + WAVE,), jnp.int32),
            pltpu.SemaphoreType.DMA,
            pltpu.SemaphoreType.DMA,
        ],
    )
    def look(weight_hbm, cmap_hbm, ids_hbm, out_hbm,
             cmap_v, wv, src, ids_s, posbuf, isem, osem):
        wid = lax.axis_index("s") * NC + lax.axis_index("c")
        v = lax.rem(wid, VOCAB)
        half = lax.div(wid, VOCAB)
        tbase = half * n_half

        pltpu.sync_copy(weight_hbm, wv)
        pltpu.sync_copy(cmap_hbm, cmap_v)

        lanes = lax.iota(jnp.int32, LANES)
        vsplat = jnp.full((LANES,), v, jnp.int32)
        cmv = plsc.load_gather(cmap_v, [vsplat])

        for j in range(D_MODEL // LANES):
            fwd = plsc.load_gather(wv, [vsplat * D_MODEL + (j * LANES + lanes)])
            rc = plsc.load_gather(
                wv, [cmv * D_MODEL + (D_MODEL - 1 - j * LANES - lanes)]
            )

            @pl.loop(0, WAVE)
            def _(k):
                src[k, pl.ds(j * LANES, LANES)] = fwd
                src[k, pl.ds(D_MODEL + j * LANES, LANES)] = rc

        def scan_stage(stage, off):
            pltpu.make_async_copy(
                ids_hbm.at[pl.ds(tbase + stage * IDS_STAGE, IDS_STAGE)], ids_s, isem
            ).start()
            pltpu.make_async_copy(
                ids_hbm.at[pl.ds(tbase + stage * IDS_STAGE, IDS_STAGE)], ids_s, isem
            ).wait()
            pbase = tbase + stage * IDS_STAGE

            pos0 = jnp.full((LANES,), pbase, jnp.int32) + lanes
            trash = jnp.full((LANES,), n_half, jnp.int32) + lanes

            @plsc.parallel_loop(0, IDS_STAGE // LANES, unroll=8, carry=(off, pos0))
            def inner(g, carry):
                ov, pos = carry
                ids16 = ids_s[pl.ds(g * LANES, LANES)]
                m = ids16 == vsplat
                cs = plsc.cumsum(m.astype(jnp.int32))
                idx = jnp.where(m, ov + cs - 1, trash)
                plsc.store_scatter(posbuf, [idx], pos)
                return (ov + plsc.all_reduce_population_count(m), pos + LANES)

            return inner[0]

        offv = pl.loop(0, n_stages, init_carry=jnp.zeros((LANES,), jnp.int32))(
            scan_stage
        )
        off = jnp.max(offv)

        p0 = plsc.load_gather(posbuf, [jnp.zeros((LANES,), jnp.int32)])
        plsc.store_scatter(posbuf, [offv + lanes], p0)
        n_waves = lax.div(off + (WAVE - 1), WAVE)

        @pl.loop(0, n_waves)
        def _(w):
            posv = posbuf[pl.ds(w * WAVE, WAVE)]
            pltpu.async_copy(src, out_hbm.at[posv], osem)

        @pl.loop(0, n_waves)
        def _(w):
            posv = posbuf[pl.ds(0, WAVE)]
            pltpu.make_async_copy(src, out_hbm.at[posv], osem).wait()

    return look(weight_flat, cmap, ids_flat)


def kernel(input_ids, complement_map, weight):
    b, l = input_ids.shape
    n_tokens = b * l
    ids_flat = input_ids.reshape(n_tokens)
    out = _lookup(weight.reshape(-1), complement_map, ids_flat, n_tokens)
    return out.reshape(b, l, D_OUT)

# --- scband reference (transcript-rebuilt; emitter-appended) ---
"""Pipeline reference for scband-rcpsembedding-15144054685758 (READ-ONLY COPY).

The authoritative reference and input builder live on the scoring server;
editing this copy changes nothing except your own understanding.
"""

import jax, jax.numpy as jnp
import numpy as np

VOCAB = 16
D_MODEL = 256
B = 16
L = 8192


def setup_inputs(seed: int = 0) -> dict:
    key = jax.random.key(seed)
    k1, k2 = jax.random.split(key)
    input_ids = jax.random.randint(k1, (B, L), 0, VOCAB, dtype=jnp.int32)
    # complement_map per init_kwargs: A(7)<->T(10), C(8)<->G(9), rest identity
    complement_map = jnp.array([0, 1, 2, 3, 4, 5, 6, 10, 9, 8, 7, 11, 12, 13, 14, 15], dtype=jnp.int32)
    weight = jax.random.normal(k2, (VOCAB, D_MODEL), dtype=jnp.float32)
    return {"input_ids": input_ids, "complement_map": complement_map, "weight": weight}


def reference(input_ids, complement_map, weight):
    # fwd_out = embedding(input_ids)
    fwd_out = jnp.take(weight, input_ids, axis=0)
    # rc(x): gather complement_map at flipped token ids
    rc_ids = jnp.take(complement_map, jnp.flip(input_ids, axis=-1), axis=0)
    # rc_out = flip(embedding(rc_ids), dims=[-2, -1])
    rc_out = jnp.flip(jnp.take(weight, rc_ids, axis=0), axis=(-2, -1))
    return jnp.concatenate([fwd_out, rc_out], axis=-1)

if __name__ == "__main__":
    import jax
    _d = setup_inputs()
    print(jax.jit(kernel)(*tuple(_d.values())))

</pallas_src>

<mosaic_0001>
#map = affine_map<(d0, d1) -> (0)>
#map1 = affine_map<(d0, d1) -> (0, 0)>
module attributes {stable_mosaic.version = 14 : i64} {
  func.func @look(%arg0: i32, %arg1: i32, %arg2: memref<4096xf32, #tpu.memory_space<hbm>>, %arg3: memref<16xi32, #tpu.memory_space<hbm>>, %arg4: memref<131072xi32, #tpu.memory_space<hbm>>, %arg5: memref<131072x512xf32, #tpu.memory_space<hbm>>, %arg6: memref<16xi32, #tpu.memory_space<vmem>>, %arg7: memref<4096xf32, #tpu.memory_space<vmem>>, %arg8: memref<16x512xf32, #tpu.memory_space<vmem>>, %arg9: memref<8192xi32, #tpu.memory_space<vmem>>, %arg10: memref<65552xi32, #tpu.memory_space<vmem>>, %arg11: memref<!tpu.dma_semaphore, #tpu.memory_space<semaphore_mem>>, %arg12: memref<!tpu.dma_semaphore, #tpu.memory_space<semaphore_mem>>) attributes {dimension_semantics = [#tpu.dimension_semantics<core_parallel>, #tpu.dimension_semantics<subcore_parallel>], iteration_bounds = array<i64: 2, 16>, scalar_prefetch = 0 : i64, scratch_operands = 7 : i64, tpu.core_type = #tpu.core_type<sc_vector_subcore>, window_params = [{transform_indices = #map}, {transform_indices = #map}, {transform_indices = #map}, {transform_indices = #map1}]} {
    %mul3A = arith.constant 2 : i32
    %mul3A_0 = arith.muli %arg1, %mul3A : i32
    %add3A = arith.addi %mul3A_0, %arg0 : i32
    %rem3A = arith.constant 16 : i32
    %rem3A_1 = arith.remsi %add3A, %rem3A : i32
    %div3A = arith.constant 16 : i32
    %div3A_2 = arith.divsi %add3A, %div3A : i32
    %mul3A_3 = arith.constant 65536 : i32
    %mul3A_4 = arith.muli %div3A_2, %mul3A_3 : i32
    "tpu.region"() ({
      %run_scoped3A = tpu.sem_alloc : memref<!tpu.dma_semaphore, #tpu.memory_space<semaphore_mem>>
      tpu.enqueue_dma source(%arg2 : memref<4096xf32, #tpu.memory_space<hbm>>) target(%arg7 : memref<4096xf32, #tpu.memory_space<vmem>>) target_semaphore(%run_scoped3A : memref<!tpu.dma_semaphore, #tpu.memory_space<semaphore_mem>>)
      tpu.wait_dma2 semaphore(%run_scoped3A : memref<!tpu.dma_semaphore, #tpu.memory_space<semaphore_mem>>) src(%arg2 : memref<4096xf32, #tpu.memory_space<hbm>>) dst(%arg7 : memref<4096xf32, #tpu.memory_space<vmem>>)
      tpu.yield
    }) : () -> ()
    "tpu.region"() ({
      %run_scoped3A = tpu.sem_alloc : memref<!tpu.dma_semaphore, #tpu.memory_space<semaphore_mem>>
      tpu.enqueue_dma source(%arg3 : memref<16xi32, #tpu.memory_space<hbm>>) target(%arg6 : memref<16xi32, #tpu.memory_space<vmem>>) target_semaphore(%run_scoped3A : memref<!tpu.dma_semaphore, #tpu.memory_space<semaphore_mem>>)
      tpu.wait_dma2 semaphore(%run_scoped3A : memref<!tpu.dma_semaphore, #tpu.memory_space<semaphore_mem>>) src(%arg3 : memref<16xi32, #tpu.memory_space<hbm>>) dst(%arg6 : memref<16xi32, #tpu.memory_space<vmem>>)
      tpu.yield
    }) : () -> ()
    %iota3A = tpu.iota {dimensions = array<i32: 0>} : vector<16xi32>
    %broadcast_in_dim3A = vector.broadcast %rem3A_1 : i32 to vector<16xi32>
    %gather3A = tpu.vector_load_idx %arg6[%broadcast_in_dim3A] : memref<16xi32, #tpu.memory_space<vmem>>[vector<16xi32>], vector<16xi32>,
    %mul3A_5 = arith.constant 256 : i32
    %mul3A_6 = vector.broadcast %mul3A_5 : i32 to vector<16xi32>
    %mul3A_7 = arith.muli %broadcast_in_dim3A, %mul3A_6 : vector<16xi32>
    %add3A_8 = arith.constant 0 : i32
    %add3A_9 = vector.broadcast %add3A_8 : i32 to vector<16xi32>
    %add3A_10 = arith.addi %add3A_9, %iota3A : vector<16xi32>
    %add3A_11 = arith.addi %mul3A_7, %add3A_10 : vector<16xi32>
    %gather3A_12 = tpu.vector_load_idx %arg7[%add3A_11] : memref<4096xf32, #tpu.memory_space<vmem>>[vector<16xi32>], vector<16xf32>,
    %mul3A_13 = arith.constant 256 : i32
    %mul3A_14 = vector.broadcast %mul3A_13 : i32 to vector<16xi32>
    %mul3A_15 = arith.muli %gather3A, %mul3A_14 : vector<16xi32>
    %sub3A = arith.constant 255 : i32
    %sub3A_16 = vector.broadcast %sub3A : i32 to vector<16xi32>
    %sub3A_17 = arith.subi %sub3A_16, %iota3A : vector<16xi32>
    %add3A_18 = arith.addi %mul3A_15, %sub3A_17 : vector<16xi32>
    %gather3A_19 = tpu.vector_load_idx %arg7[%add3A_18] : memref<4096xf32, #tpu.memory_space<vmem>>[vector<16xi32>], vector<16xf32>,
    %scan3A = arith.constant 0 : i32
    %scan3A_20 = arith.constant 16 : i32
    %scan3A_21 = arith.addi %scan3A, %scan3A_20 : i32
    %scan3A_22 = arith.constant 1 : i32
    scf.for %scan3A_399 = %scan3A to %scan3A_21 step %scan3A_22  : i32 {
      %mul3A_400 = arith.constant 1 : i32
      %mul3A_401 = arith.muli %scan3A_399, %mul3A_400 : i32
      %add3A_402 = arith.constant 0 : i32
      %add3A_403 = arith.addi %add3A_402, %mul3A_401 : i32
      %swap3A = arith.index_cast %add3A_403 : i32 to index
      %swap3A_404 = arith.constant 0 : index
      %swap3A_405 = tpu.vector_load %arg8[%swap3A, %swap3A_404] {strides = array<i32>} : memref<16x512xf32, #tpu.memory_space<vmem>>, vector<16xf32>,
      tpu.vector_store %arg8[%swap3A, %swap3A_404], %gather3A_12 {strides = array<i32>} : memref<16x512xf32, #tpu.memory_space<vmem>>, vector<16xf32>,
      %swap3A_406 = arith.index_cast %add3A_403 : i32 to index
      %swap3A_407 = arith.constant 256 : index
      %swap3A_408 = tpu.vector_load %arg8[%swap3A_406, %swap3A_407] {strides = array<i32>} : memref<16x512xf32, #tpu.memory_space<vmem>>, vector<16xf32>,
      tpu.vector_store %arg8[%swap3A_406, %swap3A_407], %gather3A_19 {strides = array<i32>} : memref<16x512xf32, #tpu.memory_space<vmem>>, vector<16xf32>,
    }
    %scan3A_23 = arith.constant 16 : i32
    %mul3A_24 = arith.constant 256 : i32
    %mul3A_25 = vector.broadcast %mul3A_24 : i32 to vector<16xi32>
    %mul3A_26 = arith.muli %broadcast_in_dim3A, %mul3A_25 : vector<16xi32>
    %add3A_27 = arith.constant 16 : i32
    %add3A_28 = vector.broadcast %add3A_27 : i32 to vector<16xi32>
    %add3A_29 = arith.addi %add3A_28, %iota3A : vector<16xi32>
    %add3A_30 = arith.addi %mul3A_26, %add3A_29 : vector<16xi32>
    %gather3A_31 = tpu.vector_load_idx %arg7[%add3A_30] : memref<4096xf32, #tpu.memory_space<vmem>>[vector<16xi32>], vector<16xf32>,
    %mul3A_32 = arith.constant 256 : i32
    %mul3A_33 = vector.broadcast %mul3A_32 : i32 to vector<16xi32>
    %mul3A_34 = arith.muli %gather3A, %mul3A_33 : vector<16xi32>
    %sub3A_35 = arith.constant 239 : i32
    %sub3A_36 = vector.broadcast %sub3A_35 : i32 to vector<16xi32>
    %sub3A_37 = arith.subi %sub3A_36, %iota3A : vector<16xi32>
    %add3A_38 = arith.addi %mul3A_34, %sub3A_37 : vector<16xi32>
    %gather3A_39 = tpu.vector_load_idx %arg7[%add3A_38] : memref<4096xf32, #tpu.memory_space<vmem>>[vector<16xi32>], vector<16xf32>,
    %scan3A_40 = arith.constant 0 : i32
    %scan3A_41 = arith.constant 16 : i32
    %scan3A_42 = arith.addi %scan3A_40, %scan3A_41 : i32
    %scan3A_43 = arith.constant 1 : i32
    scf.for %scan3A_399 = %scan3A_40 to %scan3A_42 step %scan3A_43  : i32 {
      %mul3A_400 = arith.constant 1 : i32
      %mul3A_401 = arith.muli %scan3A_399, %mul3A_400 : i32
      %add3A_402 = arith.constant 0 : i32
      %add3A_403 = arith.addi %add3A_402, %mul3A_401 : i32
      %swap3A = arith.index_cast %add3A_403 : i32 to index
      %swap3A_404 = arith.constant 16 : index
      %swap3A_405 = tpu.vector_load %arg8[%swap3A, %swap3A_404] {strides = array<i32>} : memref<16x512xf32, #tpu.memory_space<vmem>>, vector<16xf32>,
      tpu.vector_store %arg8[%swap3A, %swap3A_404], %gather3A_31 {strides = array<i32>} : memref<16x512xf32, #tpu.memory_space<vmem>>, vector<16xf32>,
      %swap3A_406 = arith.index_cast %add3A_403 : i32 to index
      %swap3A_407 = arith.constant 272 : index
      %swap3A_408 = tpu.vector_load %arg8[%swap3A_406, %swap3A_407] {strides = array<i32>} : memref<16x512xf32, #tpu.memory_space<vmem>>, vector<16xf32>,
      tpu.vector_store %arg8[%swap3A_406, %swap3A_407], %gather3A_39 {strides = array<i32>} : memref<16x512xf32, #tpu.memory_space<vmem>>, vector<16xf32>,
    }
    %scan3A_44 = arith.constant 16 : i32
    %mul3A_45 = arith.constant 256 : i32
    %mul3A_46 = vector.broadcast %mul3A_45 : i32 to vector<16xi32>
    %mul3A_47 = arith.muli %broadcast_in_dim3A, %mul3A_46 : vector<16xi32>
    %add3A_48 = arith.constant 32 : i32
    %add3A_49 = vector.broadcast %add3A_48 : i32 to vector<16xi32>
    %add3A_50 = arith.addi %add3A_49, %iota3A : vector<16xi32>
    %add3A_51 = arith.addi %mul3A_47, %add3A_50 : vector<16xi32>
    %gather3A_52 = tpu.vector_load_idx %arg7[%add3A_51] : memref<4096xf32, #tpu.memory_space<vmem>>[vector<16xi32>], vector<16xf32>,
    %mul3A_53 = arith.constant 256 : i32
    %mul3A_54 = vector.broadcast %mul3A_53 : i32 to vector<16xi32>
    %mul3A_55 = arith.muli %gather3A, %mul3A_54 : vector<16xi32>
    %sub3A_56 = arith.constant 223 : i32
    %sub3A_57 = vector.broadcast %sub3A_56 : i32 to vector<16xi32>
    %sub3A_58 = arith.subi %sub3A_57, %iota3A : vector<16xi32>
    %add3A_59 = arith.addi %mul3A_55, %sub3A_58 : vector<16xi32>
    %gather3A_60 = tpu.vector_load_idx %arg7[%add3A_59] : memref<4096xf32, #tpu.memory_space<vmem>>[vector<16xi32>], vector<16xf32>,
    %scan3A_61 = arith.constant 0 : i32
    %scan3A_62 = arith.constant 16 : i32
    %scan3A_63 = arith.addi %scan3A_61, %scan3A_62 : i32
    %scan3A_64 = arith.constant 1 : i32
    scf.for %scan3A_399 = %scan3A_61 to %scan3A_63 step %scan3A_64  : i32 {
      %mul3A_400 = arith.constant 1 : i32
      %mul3A_401 = arith.muli %scan3A_399, %mul3A_400 : i32
      %add3A_402 = arith.constant 0 : i32
      %add3A_403 = arith.addi %add3A_402, %mul3A_401 : i32
      %swap3A = arith.index_cast %add3A_403 : i32 to index
      %swap3A_404 = arith.constant 32 : index
      %swap3A_405 = tpu.vector_load %arg8[%swap3A, %swap3A_404] {strides = array<i32>} : memref<16x512xf32, #tpu.memory_space<vmem>>, vector<16xf32>,
      tpu.vector_store %arg8[%swap3A, %swap3A_404], %gather3A_52 {strides = array<i32>} : memref<16x512xf32, #tpu.memory_space<vmem>>, vector<16xf32>,
      %swap3A_406 = arith.index_cast %add3A_403 : i32 to index
      %swap3A_407 = arith.constant 288 : index
      %swap3A_408 = tpu.vector_load %arg8[%swap3A_406, %swap3A_407] {strides = array<i32>} : memref<16x512xf32, #tpu.memory_space<vmem>>, vector<16xf32>,
      tpu.vector_store %arg8[%swap3A_406, %swap3A_407], %gather3A_60 {strides = array<i32>} : memref<16x512xf32, #tpu.memory_space<vmem>>, vector<16xf32>,
    }
    %scan3A_65 = arith.constant 16 : i32
    %mul3A_66 = arith.constant 256 : i32
    %mul3A_67 = vector.broadcast %mul3A_66 : i32 to vector<16xi32>
    %mul3A_68 = arith.muli %broadcast_in_dim3A, %mul3A_67 : vector<16xi32>
    %add3A_69 = arith.constant 48 : i32
    %add3A_70 = vector.broadcast %add3A_69 : i32 to vector<16xi32>
    %add3A_71 = arith.addi %add3A_70, %iota3A : vector<16xi32>
    %add3A_72 = arith.addi %mul3A_68, %add3A_71 : vector<16xi32>
    %gather3A_73 = tpu.vector_load_idx %arg7[%add3A_72] : memref<4096xf32, #tpu.memory_space<vmem>>[vector<16xi32>], vector<16xf32>,
    %mul3A_74 = arith.constant 256 : i32
    %mul3A_75 = vector.broadcast %mul3A_74 : i32 to vector<16xi32>
    %mul3A_76 = arith.muli %gather3A, %mul3A_75 : vector<16xi32>
    %sub3A_77 = arith.constant 207 : i32
    %sub3A_78 = vector.broadcast %sub3A_77 : i32 to vector<16xi32>
    %sub3A_79 = arith.subi %sub3A_78, %iota3A : vector<16xi32>
    %add3A_80 = arith.addi %mul3A_76, %sub3A_79 : vector<16xi32>
    %gather3A_81 = tpu.vector_load_idx %arg7[%add3A_80] : memref<4096xf32, #tpu.memory_space<vmem>>[vector<16xi32>], vector<16xf32>,
    %scan3A_82 = arith.constant 0 : i32
    %scan3A_83 = arith.constant 16 : i32
    %scan3A_84 = arith.addi %scan3A_82, %scan3A_83 : i32
    %scan3A_85 = arith.constant 1 : i32
    scf.for %scan3A_399 = %scan3A_82 to %scan3A_84 step %scan3A_85  : i32 {
      %mul3A_400 = arith.constant 1 : i32
      %mul3A_401 = arith.muli %scan3A_399, %mul3A_400 : i32
      %add3A_402 = arith.constant 0 : i32
      %add3A_403 = arith.addi %add3A_402, %mul3A_401 : i32
      %swap3A = arith.index_cast %add3A_403 : i32 to index
      %swap3A_404 = arith.constant 48 : index
      %swap3A_405 = tpu.vector_load %arg8[%swap3A, %swap3A_404] {strides = array<i32>} : memref<16x512xf32, #tpu.memory_space<vmem>>, vector<16xf32>,
      tpu.vector_store %arg8[%swap3A, %swap3A_404], %gather3A_73 {strides = array<i32>} : memref<16x512xf32, #tpu.memory_space<vmem>>, vector<16xf32>,
      %swap3A_406 = arith.index_cast %add3A_403 : i32 to index
      %swap3A_407 = arith.constant 304 : index
      %swap3A_408 = tpu.vector_load %arg8[%swap3A_406, %swap3A_407] {strides = array<i32>} : memref<16x512xf32, #tpu.memory_space<vmem>>, vector<16xf32>,
      tpu.vector_store %arg8[%swap3A_406, %swap3A_407], %gather3A_81 {strides = array<i32>} : memref<16x512xf32, #tpu.memory_space<vmem>>, vector<16xf32>,
    }
    %scan3A_86 = arith.constant 16 : i32
    %mul3A_87 = arith.constant 256 : i32
    %mul3A_88 = vector.broadcast %mul3A_87 : i32 to vector<16xi32>
    %mul3A_89 = arith.muli %broadcast_in_dim3A, %mul3A_88 : vector<16xi32>
    %add3A_90 = arith.constant 64 : i32
    %add3A_91 = vector.broadcast %add3A_90 : i32 to vector<16xi32>
    %add3A_92 = arith.addi %add3A_91, %iota3A : vector<16xi32>
    %add3A_93 = arith.addi %mul3A_89, %add3A_92 : vector<16xi32>
    %gather3A_94 = tpu.vector_load_idx %arg7[%add3A_93] : memref<4096xf32, #tpu.memory_space<vmem>>[vector<16xi32>], vector<16xf32>,
    %mul3A_95 = arith.constant 256 : i32
    %mul3A_96 = vector.broadcast %mul3A_95 : i32 to vector<16xi32>
    %mul3A_97 = arith.muli %gather3A, %mul3A_96 : vector<16xi32>
    %sub3A_98 = arith.constant 191 : i32
    %sub3A_99 = vector.broadcast %sub3A_98 : i32 to vector<16xi32>
    %sub3A_100 = arith.subi %sub3A_99, %iota3A : vector<16xi32>
    %add3A_101 = arith.addi %mul3A_97, %sub3A_100 : vector<16xi32>
    %gather3A_102 = tpu.vector_load_idx %arg7[%add3A_101] : memref<4096xf32, #tpu.memory_space<vmem>>[vector<16xi32>], vector<16xf32>,
    %scan3A_103 = arith.constant 0 : i32
    %scan3A_104 = arith.constant 16 : i32
    %scan3A_105 = arith.addi %scan3A_103, %scan3A_104 : i32
    %scan3A_106 = arith.constant 1 : i32
    scf.for %scan3A_399 = %scan3A_103 to %scan3A_105 step %scan3A_106  : i32 {
      %mul3A_400 = arith.constant 1 : i32
      %mul3A_401 = arith.muli %scan3A_399, %mul3A_400 : i32
      %add3A_402 = arith.constant 0 : i32
      %add3A_403 = arith.addi %add3A_402, %mul3A_401 : i32
      %swap3A = arith.index_cast %add3A_403 : i32 to index
      %swap3A_404 = arith.constant 64 : index
      %swap3A_405 = tpu.vector_load %arg8[%swap3A, %swap3A_404] {strides = array<i32>} : memref<16x512xf32, #tpu.memory_space<vmem>>, vector<16xf32>,
      tpu.vector_store %arg8[%swap3A, %swap3A_404], %gather3A_94 {strides = array<i32>} : memref<16x512xf32, #tpu.memory_space<vmem>>, vector<16xf32>,
      %swap3A_406 = arith.index_cast %add3A_403 : i32 to index
      %swap3A_407 = arith.constant 320 : index
      %swap3A_408 = tpu.vector_load %arg8[%swap3A_406, %swap3A_407] {strides = array<i32>} : memref<16x512xf32, #tpu.memory_space<vmem>>, vector<16xf32>,
      tpu.vector_store %arg8[%swap3A_406, %swap3A_407], %gather3A_102 {strides = array<i32>} : memref<16x512xf32, #tpu.memory_space<vmem>>, vector<16xf32>,
    }
    %scan3A_107 = arith.constant 16 : i32
    %mul3A_108 = arith.constant 256 : i32
    %mul3A_109 = vector.broadcast %mul3A_108 : i32 to vector<16xi32>
    %mul3A_110 = arith.muli %broadcast_in_dim3A, %mul3A_109 : vector<16xi32>
    %add3A_111 = arith.constant 80 : i32
    %add3A_112 = vector.broadcast %add3A_111 : i32 to vector<16xi32>
    %add3A_113 = arith.addi %add3A_112, %iota3A : vector<16xi32>
    %add3A_114 = arith.addi %mul3A_110, %add3A_113 : vector<16xi32>
    %gather3A_115 = tpu.vector_load_idx %arg7[%add3A_114] : memref<4096xf32, #tpu.memory_space<vmem>>[vector<16xi32>], vector<16xf32>,
    %mul3A_116 = arith.constant 256 : i32
    %mul3A_117 = vector.broadcast %mul3A_116 : i32 to vector<16xi32>
    %mul3A_118 = arith.muli %gather3A, %mul3A_117 : vector<16xi32>
    %sub3A_119 = arith.constant 175 : i32
    %sub3A_120 = vector.broadcast %sub3A_119 : i32 to vector<16xi32>
    %sub3A_121 = arith.subi %sub3A_120, %iota3A : vector<16xi32>
    %add3A_122 = arith.addi %mul3A_118, %sub3A_121 : vector<16xi32>
    %gather3A_123 = tpu.vector_load_idx %arg7[%add3A_122] : memref<4096xf32, #tpu.memory_space<vmem>>[vector<16xi32>], vector<16xf32>,
    %scan3A_124 = arith.constant 0 : i32
    %scan3A_125 = arith.constant 16 : i32
    %scan3A_126 = arith.addi %scan3A_124, %scan3A_125 : i32
    %scan3A_127 = arith.constant 1 : i32
    scf.for %scan3A_399 = %scan3A_124 to %scan3A_126 step %scan3A_127  : i32 {
      %mul3A_400 = arith.constant 1 : i32
      %mul3A_401 = arith.muli %scan3A_399, %mul3A_400 : i32
      %add3A_402 = arith.constant 0 : i32
      %add3A_403 = arith.addi %add3A_402, %mul3A_401 : i32
      %swap3A = arith.index_cast %add3A_403 : i32 to index
      %swap3A_404 = arith.constant 80 : index
      %swap3A_405 = tpu.vector_load %arg8[%swap3A, %swap3A_404] {strides = array<i32>} : memref<16x512xf32, #tpu.memory_space<vmem>>, vector<16xf32>,
      tpu.vector_store %arg8[%swap3A, %swap3A_404], %gather3A_115 {strides = array<i32>} : memref<16x512xf32, #tpu.memory_space<vmem>>, vector<16xf32>,
      %swap3A_406 = arith.index_cast %add3A_403 : i32 to index
      %swap3A_407 = arith.constant 336 : index
      %swap3A_408 = tpu.vector_load %arg8[%swap3A_406, %swap3A_407] {strides = array<i32>} : memref<16x512xf32, #tpu.memory_space<vmem>>, vector<16xf32>,
      tpu.vector_store %arg8[%swap3A_406, %swap3A_407], %gather3A_123 {strides = array<i32>} : memref<16x512xf32, #tpu.memory_space<vmem>>, vector<16xf32>,
    }
    %scan3A_128 = arith.constant 16 : i32
    %mul3A_129 = arith.constant 256 : i32
    %mul3A_130 = vector.broadcast %mul3A_129 : i32 to vector<16xi32>
    %mul3A_131 = arith.muli %broadcast_in_dim3A, %mul3A_130 : vector<16xi32>
    %add3A_132 = arith.constant 96 : i32
    %add3A_133 = vector.broadcast %add3A_132 : i32 to vector<16xi32>
    %add3A_134 = arith.addi %add3A_133, %iota3A : vector<16xi32>
    %add3A_135 = arith.addi %mul3A_131, %add3A_134 : vector<16xi32>
    %gather3A_136 = tpu.vector_load_idx %arg7[%add3A_135] : memref<4096xf32, #tpu.memory_space<vmem>>[vector<16xi32>], vector<16xf32>,
    %mul3A_137 = arith.constant 256 : i32
    %mul3A_138 = vector.broadcast %mul3A_137 : i32 to vector<16xi32>
    %mul3A_139 = arith.muli %gather3A, %mul3A_138 : vector<16xi32>
    %sub3A_140 = arith.constant 159 : i32
    %sub3A_141 = vector.broadcast %sub3A_140 : i32 to vector<16xi32>
    %sub3A_142 = arith.subi %sub3A_141, %iota3A : vector<16xi32>
    %add3A_143 = arith.addi %mul3A_139, %sub3A_142 : vector<16xi32>
    %gather3A_144 = tpu.vector_load_idx %arg7[%add3A_143] : memref<4096xf32, #tpu.memory_space<vmem>>[vector<16xi32>], vector<16xf32>,
    %scan3A_145 = arith.constant 0 : i32
    %scan3A_146 = arith.constant 16 : i32
    %scan3A_147 = arith.addi %scan3A_145, %scan3A_146 : i32
    %scan3A_148 = arith.constant 1 : i32
    scf.for %scan3A_399 = %scan3A_145 to %scan3A_147 step %scan3A_148  : i32 {
      %mul3A_400 = arith.constant 1 : i32
      %mul3A_401 = arith.muli %scan3A_399, %mul3A_400 : i32
      %add3A_402 = arith.constant 0 : i32
      %add3A_403 = arith.addi %add3A_402, %mul3A_401 : i32
      %swap3A = arith.index_cast %add3A_403 : i32 to index
      %swap3A_404 = arith.constant 96 : index
      %swap3A_405 = tpu.vector_load %arg8[%swap3A, %swap3A_404] {strides = array<i32>} : memref<16x512xf32, #tpu.memory_space<vmem>>, vector<16xf32>,
      tpu.vector_store %arg8[%swap3A, %swap3A_404], %gather3A_136 {strides = array<i32>} : memref<16x512xf32, #tpu.memory_space<vmem>>, vector<16xf32>,
      %swap3A_406 = arith.index_cast %add3A_403 : i32 to index
      %swap3A_407 = arith.constant 352 : index
      %swap3A_408 = tpu.vector_load %arg8[%swap3A_406, %swap3A_407] {strides = array<i32>} : memref<16x512xf32, #tpu.memory_space<vmem>>, vector<16xf32>,
      tpu.vector_store %arg8[%swap3A_406, %swap3A_407], %gather3A_144 {strides = array<i32>} : memref<16x512xf32, #tpu.memory_space<vmem>>, vector<16xf32>,
    }
    %scan3A_149 = arith.constant 16 : i32
    %mul3A_150 = arith.constant 256 : i32
    %mul3A_151 = vector.broadcast %mul3A_150 : i32 to vector<16xi32>
    %mul3A_152 = arith.muli %broadcast_in_dim3A, %mul3A_151 : vector<16xi32>
    %add3A_153 = arith.constant 112 : i32
    %add3A_154 = vector.broadcast %add3A_153 : i32 to vector<16xi32>
    %add3A_155 = arith.addi %add3A_154, %iota3A : vector<16xi32>
    %add3A_156 = arith.addi %mul3A_152, %add3A_155 : vector<16xi32>
    %gather3A_157 = tpu.vector_load_idx %arg7[%add3A_156] : memref<4096xf32, #tpu.memory_space<vmem>>[vector<16xi32>], vector<16xf32>,
    %mul3A_158 = arith.constant 256 : i32
    %mul3A_159 = vector.broadcast %mul3A_158 : i32 to vector<16xi32>
    %mul3A_160 = arith.muli %gather3A, %mul3A_159 : vector<16xi32>
    %sub3A_161 = arith.constant 143 : i32
    %sub3A_162 = vector.broadcast %sub3A_161 : i32 to vector<16xi32>
    %sub3A_163 = arith.subi %sub3A_162, %iota3A : vector<16xi32>
    %add3A_164 = arith.addi %mul3A_160, %sub3A_163 : vector<16xi32>
    %gather3A_165 = tpu.vector_load_idx %arg7[%add3A_164] : memref<4096xf32, #tpu.memory_space<vmem>>[vector<16xi32>], vector<16xf32>,
    %scan3A_166 = arith.constant 0 : i32
    %scan3A_167 = arith.constant 16 : i32
    %scan3A_168 = arith.addi %scan3A_166, %scan3A_167 : i32
    %scan3A_169 = arith.constant 1 : i32
    scf.for %scan3A_399 = %scan3A_166 to %scan3A_168 step %scan3A_169  : i32 {
      %mul3A_400 = arith.constant 1 : i32
      %mul3A_401 = arith.muli %scan3A_399, %mul3A_400 : i32
      %add3A_402 = arith.constant 0 : i32
      %add3A_403 = arith.addi %add3A_402, %mul3A_401 : i32
      %swap3A = arith.index_cast %add3A_403 : i32 to index
      %swap3A_404 = arith.constant 112 : index
      %swap3A_405 = tpu.vector_load %arg8[%swap3A, %swap3A_404] {strides = array<i32>} : memref<16x512xf32, #tpu.memory_space<vmem>>, vector<16xf32>,
      tpu.vector_store %arg8[%swap3A, %swap3A_404], %gather3A_157 {strides = array<i32>} : memref<16x512xf32, #tpu.memory_space<vmem>>, vector<16xf32>,
      %swap3A_406 = arith.index_cast %add3A_403 : i32 to index
      %swap3A_407 = arith.constant 368 : index
      %swap3A_408 = tpu.vector_load %arg8[%swap3A_406, %swap3A_407] {strides = array<i32>} : memref<16x512xf32, #tpu.memory_space<vmem>>, vector<16xf32>,
      tpu.vector_store %arg8[%swap3A_406, %swap3A_407], %gather3A_165 {strides = array<i32>} : memref<16x512xf32, #tpu.memory_space<vmem>>, vector<16xf32>,
    }
    %scan3A_170 = arith.constant 16 : i32
    %mul3A_171 = arith.constant 256 : i32
    %mul3A_172 = vector.broadcast %mul3A_171 : i32 to vector<16xi32>
    %mul3A_173 = arith.muli %broadcast_in_dim3A, %mul3A_172 : vector<16xi32>
    %add3A_174 = arith.constant 128 : i32
    %add3A_175 = vector.broadcast %add3A_174 : i32 to vector<16xi32>
    %add3A_176 = arith.addi %add3A_175, %iota3A : vector<16xi32>
    %add3A_177 = arith.addi %mul3A_173, %add3A_176 : vector<16xi32>
    %gather3A_178 = tpu.vector_load_idx %arg7[%add3A_177] : memref<4096xf32, #tpu.memory_space<vmem>>[vector<16xi32>], vector<16xf32>,
    %mul3A_179 = arith.constant 256 : i32
    %mul3A_180 = vector.broadcast %mul3A_179 : i32 to vector<16xi32>
    %mul3A_181 = arith.muli %gather3A, %mul3A_180 : vector<16xi32>
    %sub3A_182 = arith.constant 127 : i32
    %sub3A_183 = vector.broadcast %sub3A_182 : i32 to vector<16xi32>
    %sub3A_184 = arith.subi %sub3A_183, %iota3A : vector<16xi32>
    %add3A_185 = arith.addi %mul3A_181, %sub3A_184 : vector<16xi32>
    %gather3A_186 = tpu.vector_load_idx %arg7[%add3A_185] : memref<4096xf32, #tpu.memory_space<vmem>>[vector<16xi32>], vector<16xf32>,
    %scan3A_187 = arith.constant 0 : i32
    %scan3A_188 = arith.constant 16 : i32
    %scan3A_189 = arith.addi %scan3A_187, %scan3A_188 : i32
    %scan3A_190 = arith.constant 1 : i32
    scf.for %scan3A_399 = %scan3A_187 to %scan3A_189 step %scan3A_190  : i32 {
      %mul3A_400 = arith.constant 1 : i32
      %mul3A_401 = arith.muli %scan3A_399, %mul3A_400 : i32
      %add3A_402 = arith.constant 0 : i32
      %add3A_403 = arith.addi %add3A_402, %mul3A_401 : i32
      %swap3A = arith.index_cast %add3A_403 : i32 to index
      %swap3A_404 = arith.constant 128 : index
      %swap3A_405 = tpu.vector_load %arg8[%swap3A, %swap3A_404] {strides = array<i32>} : memref<16x512xf32, #tpu.memory_space<vmem>>, vector<16xf32>,
      tpu.vector_store %arg8[%swap3A, %swap3A_404], %gather3A_178 {strides = array<i32>} : memref<16x512xf32, #tpu.memory_space<vmem>>, vector<16xf32>,
      %swap3A_406 = arith.index_cast %add3A_403 : i32 to index
      %swap3A_407 = arith.constant 384 : index
      %swap3A_408 = tpu.vector_load %arg8[%swap3A_406, %swap3A_407] {strides = array<i32>} : memref<16x512xf32, #tpu.memory_space<vmem>>, vector<16xf32>,
      tpu.vector_store %arg8[%swap3A_406, %swap3A_407], %gather3A_186 {strides = array<i32>} : memref<16x512xf32, #tpu.memory_space<vmem>>, vector<16xf32>,
    }
    %scan3A_191 = arith.constant 16 : i32
    %mul3A_192 = arith.constant 256 : i32
    %mul3A_193 = vector.broadcast %mul3A_192 : i32 to vector<16xi32>
    %mul3A_194 = arith.muli %broadcast_in_dim3A, %mul3A_193 : vector<16xi32>
    %add3A_195 = arith.constant 144 : i32
    %add3A_196 = vector.broadcast %add3A_195 : i32 to vector<16xi32>
    %add3A_197 = arith.addi %add3A_196, %iota3A : vector<16xi32>
    %add3A_198 = arith.addi %mul3A_194, %add3A_197 : vector<16xi32>
    %gather3A_199 = tpu.vector_load_idx %arg7[%add3A_198] : memref<4096xf32, #tpu.memory_space<vmem>>[vector<16xi32>], vector<16xf32>,
    %mul3A_200 = arith.constant 256 : i32
    %mul3A_201 = vector.broadcast %mul3A_200 : i32 to vector<16xi32>
    %mul3A_202 = arith.muli %gather3A, %mul3A_201 : vector<16xi32>
    %sub3A_203 = arith.constant 111 : i32
    %sub3A_204 = vector.broadcast %sub3A_203 : i32 to vector<16xi32>
    %sub3A_205 = arith.subi %sub3A_204, %iota3A : vector<16xi32>
    %add3A_206 = arith.addi %mul3A_202, %sub3A_205 : vector<16xi32>
    %gather3A_207 = tpu.vector_load_idx %arg7[%add3A_206] : memref<4096xf32, #tpu.memory_space<vmem>>[vector<16xi32>], vector<16xf32>,
    %scan3A_208 = arith.constant 0 : i32
    %scan3A_209 = arith.constant 16 : i32
    %scan3A_210 = arith.addi %scan3A_208, %scan3A_209 : i32
    %scan3A_211 = arith.constant 1 : i32
    scf.for %scan3A_399 = %scan3A_208 to %scan3A_210 step %scan3A_211  : i32 {
      %mul3A_400 = arith.constant 1 : i32
      %mul3A_401 = arith.muli %scan3A_399, %mul3A_400 : i32
      %add3A_402 = arith.constant 0 : i32
      %add3A_403 = arith.addi %add3A_402, %mul3A_401 : i32
      %swap3A = arith.index_cast %add3A_403 : i32 to index
      %swap3A_404 = arith.constant 144 : index
      %swap3A_405 = tpu.vector_load %arg8[%swap3A, %swap3A_404] {strides = array<i32>} : memref<16x512xf32, #tpu.memory_space<vmem>>, vector<16xf32>,
      tpu.vector_store %arg8[%swap3A, %swap3A_404], %gather3A_199 {strides = array<i32>} : memref<16x512xf32, #tpu.memory_space<vmem>>, vector<16xf32>,
      %swap3A_406 = arith.index_cast %add3A_403 : i32 to index
      %swap3A_407 = arith.constant 400 : index
      %swap3A_408 = tpu.vector_load %arg8[%swap3A_406, %swap3A_407] {strides = array<i32>} : memref<16x512xf32, #tpu.memory_space<vmem>>, vector<16xf32>,
      tpu.vector_store %arg8[%swap3A_406, %swap3A_407], %gather3A_207 {strides = array<i32>} : memref<16x512xf32, #tpu.memory_space<vmem>>, vector<16xf32>,
    }
    %scan3A_212 = arith.constant 16 : i32
    %mul3A_213 = arith.constant 256 : i32
    %mul3A_214 = vector.broadcast %mul3A_213 : i32 to vector<16xi32>
    %mul3A_215 = arith.muli %broadcast_in_dim3A, %mul3A_214 : vector<16xi32>
    %add3A_216 = arith.constant 160 : i32
    %add3A_217 = vector.broadcast %add3A_216 : i32 to vector<16xi32>
    %add3A_218 = arith.addi %add3A_217, %iota3A : vector<16xi32>
    %add3A_219 = arith.addi %mul3A_215, %add3A_218 : vector<16xi32>
    %gather3A_220 = tpu.vector_load_idx %arg7[%add3A_219] : memref<4096xf32, #tpu.memory_space<vmem>>[vector<16xi32>], vector<16xf32>,
    %mul3A_221 = arith.constant 256 : i32
    %mul3A_222 = vector.broadcast %mul3A_221 : i32 to vector<16xi32>
    %mul3A_223 = arith.muli %gather3A, %mul3A_222 : vector<16xi32>
    %sub3A_224 = arith.constant 95 : i32
    %sub3A_225 = vector.broadcast %sub3A_224 : i32 to vector<16xi32>
    %sub3A_226 = arith.subi %sub3A_225, %iota3A : vector<16xi32>
    %add3A_227 = arith.addi %mul3A_223, %sub3A_226 : vector<16xi32>
    %gather3A_228 = tpu.vector_load_idx %arg7[%add3A_227] : memref<4096xf32, #tpu.memory_space<vmem>>[vector<16xi32>], vector<16xf32>,
    %scan3A_229 = arith.constant 0 : i32
    %scan3A_230 = arith.constant 16 : i32
    %scan3A_231 = arith.addi %scan3A_229, %scan3A_230 : i32
    %scan3A_232 = arith.constant 1 : i32
    scf.for %scan3A_399 = %scan3A_229 to %scan3A_231 step %scan3A_232  : i32 {
      %mul3A_400 = arith.constant 1 : i32
      %mul3A_401 = arith.muli %scan3A_399, %mul3A_400 : i32
      %add3A_402 = arith.constant 0 : i32
      %add3A_403 = arith.addi %add3A_402, %mul3A_401 : i32
      %swap3A = arith.index_cast %add3A_403 : i32 to index
      %swap3A_404 = arith.constant 160 : index
      %swap3A_405 = tpu.vector_load %arg8[%swap3A, %swap3A_404] {strides = array<i32>} : memref<16x512xf32, #tpu.memory_space<vmem>>, vector<16xf32>,
      tpu.vector_store %arg8[%swap3A, %swap3A_404], %gather3A_220 {strides = array<i32>} : memref<16x512xf32, #tpu.memory_space<vmem>>, vector<16xf32>,
      %swap3A_406 = arith.index_cast %add3A_403 : i32 to index
      %swap3A_407 = arith.constant 416 : index
      %swap3A_408 = tpu.vector_load %arg8[%swap3A_406, %swap3A_407] {strides = array<i32>} : memref<16x512xf32, #tpu.memory_space<vmem>>, vector<16xf32>,
      tpu.vector_store %arg8[%swap3A_406, %swap3A_407], %gather3A_228 {strides = array<i32>} : memref<16x512xf32, #tpu.memory_space<vmem>>, vector<16xf32>,
    }
    %scan3A_233 = arith.constant 16 : i32
    %mul3A_234 = arith.constant 256 : i32
    %mul3A_235 = vector.broadcast %mul3A_234 : i32 to vector<16xi32>
    %mul3A_236 = arith.muli %broadcast_in_dim3A, %mul3A_235 : vector<16xi32>
    %add3A_237 = arith.constant 176 : i32
    %add3A_238 = vector.broadcast %add3A_237 : i32 to vector<16xi32>
    %add3A_239 = arith.addi %add3A_238, %iota3A : vector<16xi32>
    %add3A_240 = arith.addi %mul3A_236, %add3A_239 : vector<16xi32>
    %gather3A_241 = tpu.vector_load_idx %arg7[%add3A_240] : memref<4096xf32, #tpu.memory_space<vmem>>[vector<16xi32>], vector<16xf32>,
    %mul3A_242 = arith.constant 256 : i32
    %mul3A_243 = vector.broadcast %mul3A_242 : i32 to vector<16xi32>
    %mul3A_244 = arith.muli %gather3A, %mul3A_243 : vector<16xi32>
    %sub3A_245 = arith.constant 79 : i32
    %sub3A_246 = vector.broadcast %sub3A_245 : i32 to vector<16xi32>
    %sub3A_247 = arith.subi %sub3A_246, %iota3A : vector<16xi32>
    %add3A_248 = arith.addi %mul3A_244, %sub3A_247 : vector<16xi32>
    %gather3A_249 = tpu.vector_load_idx %arg7[%add3A_248] : memref<4096xf32, #tpu.memory_space<vmem>>[vector<16xi32>], vector<16xf32>,
    %scan3A_250 = arith.constant 0 : i32
    %scan3A_251 = arith.constant 16 : i32
    %scan3A_252 = arith.addi %scan3A_250, %scan3A_251 : i32
    %scan3A_253 = arith.constant 1 : i32
    scf.for %scan3A_399 = %scan3A_250 to %scan3A_252 step %scan3A_253  : i32 {
      %mul3A_400 = arith.constant 1 : i32
      %mul3A_401 = arith.muli %scan3A_399, %mul3A_400 : i32
      %add3A_402 = arith.constant 0 : i32
      %add3A_403 = arith.addi %add3A_402, %mul3A_401 : i32
      %swap3A = arith.index_cast %add3A_403 : i32 to index
      %swap3A_404 = arith.constant 176 : index
      %swap3A_405 = tpu.vector_load %arg8[%swap3A, %swap3A_404] {strides = array<i32>} : memref<16x512xf32, #tpu.memory_space<vmem>>, vector<16xf32>,
      tpu.vector_store %arg8[%swap3A, %swap3A_404], %gather3A_241 {strides = array<i32>} : memref<16x512xf32, #tpu.memory_space<vmem>>, vector<16xf32>,
      %swap3A_406 = arith.index_cast %add3A_403 : i32 to index
      %swap3A_407 = arith.constant 432 : index
      %swap3A_408 = tpu.vector_load %arg8[%swap3A_406, %swap3A_407] {strides = array<i32>} : memref<16x512xf32, #tpu.memory_space<vmem>>, vector<16xf32>,
      tpu.vector_store %arg8[%swap3A_406, %swap3A_407], %gather3A_249 {strides = array<i32>} : memref<16x512xf32, #tpu.memory_space<vmem>>, vector<16xf32>,
    }
    %scan3A_254 = arith.constant 16 : i32
    %mul3A_255 = arith.constant 256 : i32
    %mul3A_256 = vector.broadcast %mul3A_255 : i32 to vector<16xi32>
    %mul3A_257 = arith.muli %broadcast_in_dim3A, %mul3A_256 : vector<16xi32>
    %add3A_258 = arith.constant 192 : i32
    %add3A_259 = vector.broadcast %add3A_258 : i32 to vector<16xi32>
    %add3A_260 = arith.addi %add3A_259, %iota3A : vector<16xi32>
    %add3A_261 = arith.addi %mul3A_257, %add3A_260 : vector<16xi32>
    %gather3A_262 = tpu.vector_load_idx %arg7[%add3A_261] : memref<4096xf32, #tpu.memory_space<vmem>>[vector<16xi32>], vector<16xf32>,
    %mul3A_263 = arith.constant 256 : i32
    %mul3A_264 = vector.broadcast %mul3A_263 : i32 to vector<16xi32>
    %mul3A_265 = arith.muli %gather3A, %mul3A_264 : vector<16xi32>
    %sub3A_266 = arith.constant 63 : i32
    %sub3A_267 = vector.broadcast %sub3A_266 : i32 to vector<16xi32>
    %sub3A_268 = arith.subi %sub3A_267, %iota3A : vector<16xi32>
    %add3A_269 = arith.addi %mul3A_265, %sub3A_268 : vector<16xi32>
    %gather3A_270 = tpu.vector_load_idx %arg7[%add3A_269] : memref<4096xf32, #tpu.memory_space<vmem>>[vector<16xi32>], vector<16xf32>,
    %scan3A_271 = arith.constant 0 : i32
    %scan3A_272 = arith.constant 16 : i32
    %scan3A_273 = arith.addi %scan3A_271, %scan3A_272 : i32
    %scan3A_274 = arith.constant 1 : i32
    scf.for %scan3A_399 = %scan3A_271 to %scan3A_273 step %scan3A_274  : i32 {
      %mul3A_400 = arith.constant 1 : i32
      %mul3A_401 = arith.muli %scan3A_399, %mul3A_400 : i32
      %add3A_402 = arith.constant 0 : i32
      %add3A_403 = arith.addi %add3A_402, %mul3A_401 : i32
      %swap3A = arith.index_cast %add3A_403 : i32 to index
      %swap3A_404 = arith.constant 192 : index
      %swap3A_405 = tpu.vector_load %arg8[%swap3A, %swap3A_404] {strides = array<i32>} : memref<16x512xf32, #tpu.memory_space<vmem>>, vector<16xf32>,
      tpu.vector_store %arg8[%swap3A, %swap3A_404], %gather3A_262 {strides = array<i32>} : memref<16x512xf32, #tpu.memory_space<vmem>>, vector<16xf32>,
      %swap3A_406 = arith.index_cast %add3A_403 : i32 to index
      %swap3A_407 = arith.constant 448 : index
      %swap3A_408 = tpu.vector_load %arg8[%swap3A_406, %swap3A_407] {strides = array<i32>} : memref<16x512xf32, #tpu.memory_space<vmem>>, vector<16xf32>,
      tpu.vector_store %arg8[%swap3A_406, %swap3A_407], %gather3A_270 {strides = array<i32>} : memref<16x512xf32, #tpu.memory_space<vmem>>, vector<16xf32>,
    }
    %scan3A_275 = arith.constant 16 : i32
    %mul3A_276 = arith.constant 256 : i32
    %mul3A_277 = vector.broadcast %mul3A_276 : i32 to vector<16xi32>
    %mul3A_278 = arith.muli %broadcast_in_dim3A, %mul3A_277 : vector<16xi32>
    %add3A_279 = arith.constant 208 : i32
    %add3A_280 = vector.broadcast %add3A_279 : i32 to vector<16xi32>
    %add3A_281 = arith.addi %add3A_280, %iota3A : vector<16xi32>
    %add3A_282 = arith.addi %mul3A_278, %add3A_281 : vector<16xi32>
    %gather3A_283 = tpu.vector_load_idx %arg7[%add3A_282] : memref<4096xf32, #tpu.memory_space<vmem>>[vector<16xi32>], vector<16xf32>,
    %mul3A_284 = arith.constant 256 : i32
    %mul3A_285 = vector.broadcast %mul3A_284 : i32 to vector<16xi32>
    %mul3A_286 = arith.muli %gather3A, %mul3A_285 : vector<16xi32>
    %sub3A_287 = arith.constant 47 : i32
    %sub3A_288 = vector.broadcast %sub3A_287 : i32 to vector<16xi32>
    %sub3A_289 = arith.subi %sub3A_288, %iota3A : vector<16xi32>
    %add3A_290 = arith.addi %mul3A_286, %sub3A_289 : vector<16xi32>
    %gather3A_291 = tpu.vector_load_idx %arg7[%add3A_290] : memref<4096xf32, #tpu.memory_space<vmem>>[vector<16xi32>], vector<16xf32>,
    %scan3A_292 = arith.constant 0 : i32
    %scan3A_293 = arith.constant 16 : i32
    %scan3A_294 = arith.addi %scan3A_292, %scan3A_293 : i32
    %scan3A_295 = arith.constant 1 : i32
    scf.for %scan3A_399 = %scan3A_292 to %scan3A_294 step %scan3A_295  : i32 {
      %mul3A_400 = arith.constant 1 : i32
      %mul3A_401 = arith.muli %scan3A_399, %mul3A_400 : i32
      %add3A_402 = arith.constant 0 : i32
      %add3A_403 = arith.addi %add3A_402, %mul3A_401 : i32
      %swap3A = arith.index_cast %add3A_403 : i32 to index
      %swap3A_404 = arith.constant 208 : index
      %swap3A_405 = tpu.vector_load %arg8[%swap3A, %swap3A_404] {strides = array<i32>} : memref<16x512xf32, #tpu.memory_space<vmem>>, vector<16xf32>,
      tpu.vector_store %arg8[%swap3A, %swap3A_404], %gather3A_283 {strides = array<i32>} : memref<16x512xf32, #tpu.memory_space<vmem>>, vector<16xf32>,
      %swap3A_406 = arith.index_cast %add3A_403 : i32 to index
      %swap3A_407 = arith.constant 464 : index
      %swap3A_408 = tpu.vector_load %arg8[%swap3A_406, %swap3A_407] {strides = array<i32>} : memref<16x512xf32, #tpu.memory_space<vmem>>, vector<16xf32>,
      tpu.vector_store %arg8[%swap3A_406, %swap3A_407], %gather3A_291 {strides = array<i32>} : memref<16x512xf32, #tpu.memory_space<vmem>>, vector<16xf32>,
    }
    %scan3A_296 = arith.constant 16 : i32
    %mul3A_297 = arith.constant 256 : i32
    %mul3A_298 = vector.broadcast %mul3A_297 : i32 to vector<16xi32>
    %mul3A_299 = arith.muli %broadcast_in_dim3A, %mul3A_298 : vector<16xi32>
    %add3A_300 = arith.constant 224 : i32
    %add3A_301 = vector.broadcast %add3A_300 : i32 to vector<16xi32>
    %add3A_302 = arith.addi %add3A_301, %iota3A : vector<16xi32>
    %add3A_303 = arith.addi %mul3A_299, %add3A_302 : vector<16xi32>
    %gather3A_304 = tpu.vector_load_idx %arg7[%add3A_303] : memref<4096xf32, #tpu.memory_space<vmem>>[vector<16xi32>], vector<16xf32>,
    %mul3A_305 = arith.constant 256 : i32
    %mul3A_306 = vector.broadcast %mul3A_305 : i32 to vector<16xi32>
    %mul3A_307 = arith.muli %gather3A, %mul3A_306 : vector<16xi32>
    %sub3A_308 = arith.constant 31 : i32
    %sub3A_309 = vector.broadcast %sub3A_308 : i32 to vector<16xi32>
    %sub3A_310 = arith.subi %sub3A_309, %iota3A : vector<16xi32>
    %add3A_311 = arith.addi %mul3A_307, %sub3A_310 : vector<16xi32>
    %gather3A_312 = tpu.vector_load_idx %arg7[%add3A_311] : memref<4096xf32, #tpu.memory_space<vmem>>[vector<16xi32>], vector<16xf32>,
    %scan3A_313 = arith.constant 0 : i32
    %scan3A_314 = arith.constant 16 : i32
    %scan3A_315 = arith.addi %scan3A_313, %scan3A_314 : i32
    %scan3A_316 = arith.constant 1 : i32
    scf.for %scan3A_399 = %scan3A_313 to %scan3A_315 step %scan3A_316  : i32 {
      %mul3A_400 = arith.constant 1 : i32
      %mul3A_401 = arith.muli %scan3A_399, %mul3A_400 : i32
      %add3A_402 = arith.constant 0 : i32
      %add3A_403 = arith.addi %add3A_402, %mul3A_401 : i32
      %swap3A = arith.index_cast %add3A_403 : i32 to index
      %swap3A_404 = arith.constant 224 : index
      %swap3A_405 = tpu.vector_load %arg8[%swap3A, %swap3A_404] {strides = array<i32>} : memref<16x512xf32, #tpu.memory_space<vmem>>, vector<16xf32>,
      tpu.vector_store %arg8[%swap3A, %swap3A_404], %gather3A_304 {strides = array<i32>} : memref<16x512xf32, #tpu.memory_space<vmem>>, vector<16xf32>,
      %swap3A_406 = arith.index_cast %add3A_403 : i32 to index
      %swap3A_407 = arith.constant 480 : index
      %swap3A_408 = tpu.vector_load %arg8[%swap3A_406, %swap3A_407] {strides = array<i32>} : memref<16x512xf32, #tpu.memory_space<vmem>>, vector<16xf32>,
      tpu.vector_store %arg8[%swap3A_406, %swap3A_407], %gather3A_312 {strides = array<i32>} : memref<16x512xf32, #tpu.memory_space<vmem>>, vector<16xf32>,
    }
    %scan3A_317 = arith.constant 16 : i32
    %mul3A_318 = arith.constant 256 : i32
    %mul3A_319 = vector.broadcast %mul3A_318 : i32 to vector<16xi32>
    %mul3A_320 = arith.muli %broadcast_in_dim3A, %mul3A_319 : vector<16xi32>
    %add3A_321 = arith.constant 240 : i32
    %add3A_322 = vector.broadcast %add3A_321 : i32 to vector<16xi32>
    %add3A_323 = arith.addi %add3A_322, %iota3A : vector<16xi32>
    %add3A_324 = arith.addi %mul3A_320, %add3A_323 : vector<16xi32>
    %gather3A_325 = tpu.vector_load_idx %arg7[%add3A_324] : memref<4096xf32, #tpu.memory_space<vmem>>[vector<16xi32>], vector<16xf32>,
    %mul3A_326 = arith.constant 256 : i32
    %mul3A_327 = vector.broadcast %mul3A_326 : i32 to vector<16xi32>
    %mul3A_328 = arith.muli %gather3A, %mul3A_327 : vector<16xi32>
    %sub3A_329 = arith.constant 15 : i32
    %sub3A_330 = vector.broadcast %sub3A_329 : i32 to vector<16xi32>
    %sub3A_331 = arith.subi %sub3A_330, %iota3A : vector<16xi32>
    %add3A_332 = arith.addi %mul3A_328, %sub3A_331 : vector<16xi32>
    %gather3A_333 = tpu.vector_load_idx %arg7[%add3A_332] : memref<4096xf32, #tpu.memory_space<vmem>>[vector<16xi32>], vector<16xf32>,
    %scan3A_334 = arith.constant 0 : i32
    %scan3A_335 = arith.constant 16 : i32
    %scan3A_336 = arith.addi %scan3A_334, %scan3A_335 : i32
    %scan3A_337 = arith.constant 1 : i32
    scf.for %scan3A_399 = %scan3A_334 to %scan3A_336 step %scan3A_337  : i32 {
      %mul3A_400 = arith.constant 1 : i32
      %mul3A_401 = arith.muli %scan3A_399, %mul3A_400 : i32
      %add3A_402 = arith.constant 0 : i32
      %add3A_403 = arith.addi %add3A_402, %mul3A_401 : i32
      %swap3A = arith.index_cast %add3A_403 : i32 to index
      %swap3A_404 = arith.constant 240 : index
      %swap3A_405 = tpu.vector_load %arg8[%swap3A, %swap3A_404] {strides = array<i32>} : memref<16x512xf32, #tpu.memory_space<vmem>>, vector<16xf32>,
      tpu.vector_store %arg8[%swap3A, %swap3A_404], %gather3A_325 {strides = array<i32>} : memref<16x512xf32, #tpu.memory_space<vmem>>, vector<16xf32>,
      %swap3A_406 = arith.index_cast %add3A_403 : i32 to index
      %swap3A_407 = arith.constant 496 : index
      %swap3A_408 = tpu.vector_load %arg8[%swap3A_406, %swap3A_407] {strides = array<i32>} : memref<16x512xf32, #tpu.memory_space<vmem>>, vector<16xf32>,
      tpu.vector_store %arg8[%swap3A_406, %swap3A_407], %gather3A_333 {strides = array<i32>} : memref<16x512xf32, #tpu.memory_space<vmem>>, vector<16xf32>,
    }
    %scan3A_338 = arith.constant 16 : i32
    %broadcast_in_dim3A_339 = arith.constant 0 : i32
    %broadcast_in_dim3A_340 = vector.broadcast %broadcast_in_dim3A_339 : i32 to vector<16xi32>
    %scan3A_341 = arith.constant 0 : i32
    %scan3A_342 = arith.constant 8 : i32
    %scan3A_343 = arith.addi %scan3A_341, %scan3A_342 : i32
    %scan3A_344 = arith.constant 1 : i32
    %scan3A_345 = scf.for %scan3A_399 = %scan3A_341 to %scan3A_343 step %scan3A_344 iter_args(%scan3A_400 = %broadcast_in_dim3A_340) -> (vector<16xi32>)  : i32 {
      %mul3A_401 = arith.constant 1 : i32
      %mul3A_402 = arith.muli %scan3A_399, %mul3A_401 : i32
      %add3A_403 = arith.constant 0 : i32
      %add3A_404 = arith.addi %add3A_403, %mul3A_402 : i32
      %mul3A_405 = arith.constant 8192 : i32
      %mul3A_406 = arith.muli %add3A_404, %mul3A_405 : i32
      %add3A_407 = arith.addi %mul3A_4, %mul3A_406 : i32
      %dma_start3A = tpu.memref_slice %arg4[%add3A_407] : memref<131072xi32, #tpu.memory_space<hbm>> -> memref<8192xi32, #tpu.memory_space<hbm>>
      %dma_start3A_408 = tpu.memref_slice %arg4[%add3A_407] : memref<131072xi32, #tpu.memory_space<hbm>> -> memref<8192xi32, #tpu.memory_space<hbm>>
      tpu.enqueue_dma source(%dma_start3A_408 : memref<8192xi32, #tpu.memory_space<hbm>>) target(%arg9 : memref<8192xi32, #tpu.memory_space<vmem>>) target_semaphore(%arg11 : memref<!tpu.dma_semaphore, #tpu.memory_space<semaphore_mem>>)
      %mul3A_409 = arith.constant 8192 : i32
      %mul3A_410 = arith.muli %add3A_404, %mul3A_409 : i32
      %add3A_411 = arith.addi %mul3A_4, %mul3A_410 : i32
      %dma_wait3A = tpu.memref_slice %arg4[%add3A_411] : memref<131072xi32, #tpu.memory_space<hbm>> -> memref<8192xi32, #tpu.memory_space<hbm>>
      %dma_wait3A_412 = tpu.memref_slice %arg4[%add3A_411] : memref<131072xi32, #tpu.memory_space<hbm>> -> memref<8192xi32, #tpu.memory_space<hbm>>
      tpu.wait_dma2 semaphore(%arg11 : memref<!tpu.dma_semaphore, #tpu.memory_space<semaphore_mem>>) src(%dma_wait3A_412 : memref<8192xi32, #tpu.memory_space<hbm>>) dst(%arg9 : memref<8192xi32, #tpu.memory_space<vmem>>)
      %mul3A_413 = arith.constant 8192 : i32
      %mul3A_414 = arith.muli %add3A_404, %mul3A_413 : i32
      %add3A_415 = arith.addi %mul3A_4, %mul3A_414 : i32
      %broadcast_in_dim3A_416 = vector.broadcast %add3A_415 : i32 to vector<16xi32>
      %add3A_417 = arith.addi %broadcast_in_dim3A_416, %iota3A : vector<16xi32>
      %broadcast_in_dim3A_418 = arith.constant 65536 : i32
      %broadcast_in_dim3A_419 = vector.broadcast %broadcast_in_dim3A_418 : i32 to vector<16xi32>
      %add3A_420 = arith.addi %broadcast_in_dim3A_419, %iota3A : vector<16xi32>
      %parallel_loop3A = arith.constant 0 : i32
      %parallel_loop3A_421 = arith.constant 512 : i32
      %parallel_loop3A_422 = arith.constant 1 : i32
      %parallel_loop3A_423:2 = scf.for %parallel_loop3A_424 = %parallel_loop3A to %parallel_loop3A_421 step %parallel_loop3A_422 iter_args(%parallel_loop3A_425 = %scan3A_400, %parallel_loop3A_426 = %add3A_417) -> (vector<16xi32>, vector<16xi32>)  : i32 {
        %parallel_loop3A_427 = arith.constant 16 : i32
        %parallel_loop3A_428 = arith.muli %parallel_loop3A_424, %parallel_loop3A_427 : i32
        %parallel_loop3A_429 = arith.index_cast %parallel_loop3A_428 : i32 to index
        %parallel_loop3A_430 = tpu.vector_load %arg9[%parallel_loop3A_429] {strides = array<i32>} : memref<8192xi32, #tpu.memory_space<vmem>>, vector<16xi32>,
        %parallel_loop3A_431 = arith.cmpi eq, %parallel_loop3A_430, %broadcast_in_dim3A : vector<16xi32>
        %parallel_loop3A_432 = arith.extui %parallel_loop3A_431 : vector<16xi1> to vector<16xi32>
        %parallel_loop3A_433 = arith.constant true
        %parallel_loop3A_434 = vector.broadcast %parallel_loop3A_433 : i1 to vector<16xi1>
        %parallel_loop3A_435 = tpu.scan <sum>, %parallel_loop3A_432 masked %parallel_loop3A_434 : vector<16xi32>, vector<16xi1> -> vector<16xi32>
        %parallel_loop3A_436 = arith.addi %parallel_loop3A_425, %parallel_loop3A_435 : vector<16xi32>
        %parallel_loop3A_437 = arith.constant 1 : i32
        %parallel_loop3A_438 = vector.broadcast %parallel_loop3A_437 : i32 to vector<16xi32>
        %parallel_loop3A_439 = arith.subi %parallel_loop3A_436, %parallel_loop3A_438 : vector<16xi32>
        %parallel_loop3A_440 = arith.select %parallel_loop3A_431, %parallel_loop3A_439, %add3A_420 : vector<16xi1>, vector<16xi32>
        tpu.vector_store_idx %arg10[%parallel_loop3A_440], %parallel_loop3A_426 : memref<65552xi32, #tpu.memory_space<vmem>>[vector<16xi32>], vector<16xi32>,
        %parallel_loop3A_441 = tpu.all_reduce %parallel_loop3A_431 {dim = 0 : i64, kind = #tpu.reduction_kind<sum>} : vector<16xi1> -> vector<16xi32>
        %parallel_loop3A_442 = arith.addi %parallel_loop3A_425, %parallel_loop3A_441 : vector<16xi32>
        %parallel_loop3A_443 = arith.constant 16 : i32
        %parallel_loop3A_444 = vector.broadcast %parallel_loop3A_443 : i32 to vector<16xi32>
        %parallel_loop3A_445 = arith.addi %parallel_loop3A_426, %parallel_loop3A_444 : vector<16xi32>
        scf.yield %parallel_loop3A_442, %parallel_loop3A_445 : vector<16xi32>, vector<16xi32>
      } {sc.loop_unroll_factor = 8 : i64, sc.parallel_access}
      scf.yield %parallel_loop3A_423#0 : vector<16xi32>
    }
    %scan3A_346 = arith.constant 8 : i32
    %reduce_max3A = arith.constant true
    %reduce_max3A_347 = vector.broadcast %reduce_max3A : i1 to vector<16xi1>
    %reduce_max3A_348 = arith.constant -2147483648 : i32
    %reduce_max3A_349 = vector.broadcast %reduce_max3A_348 : i32 to vector<16xi32>
    %reduce_max3A_350 = arith.xori %scan3A_345, %reduce_max3A_349 : vector<16xi32>
    %reduce_max3A_351 = tpu.scan <max>, %reduce_max3A_350 masked %reduce_max3A_347 : vector<16xi32>, vector<16xi1> -> vector<16xi32>
    %reduce_max3A_352 = arith.xori %reduce_max3A_351, %reduce_max3A_349 : vector<16xi32>
    %reduce_max3A_353 = vector.extract %reduce_max3A_352[15] : i32 from vector<16xi32>
    %broadcast_in_dim3A_354 = arith.constant 0 : i32
    %broadcast_in_dim3A_355 = vector.broadcast %broadcast_in_dim3A_354 : i32 to vector<16xi32>
    %gather3A_356 = tpu.vector_load_idx %arg10[%broadcast_in_dim3A_355] : memref<65552xi32, #tpu.memory_space<vmem>>[vector<16xi32>], vector<16xi32>,
    %add3A_357 = arith.addi %scan3A_345, %iota3A : vector<16xi32>
    tpu.vector_store_idx %arg10[%add3A_357], %gather3A_356 : memref<65552xi32, #tpu.memory_space<vmem>>[vector<16xi32>], vector<16xi32>,
    %add3A_358 = arith.constant 15 : i32
    %add3A_359 = arith.addi %reduce_max3A_353, %add3A_358 : i32
    %div3A_360 = arith.constant 16 : i32
    %div3A_361 = arith.divsi %add3A_359, %div3A_360 : i32
    %sub3A_362 = arith.constant 0 : i32
    %sub3A_363 = arith.subi %div3A_361, %sub3A_362 : i32
    %sub3A_364 = arith.constant 1 : i32
    %sub3A_365 = arith.constant 1 : i32
    %sub3A_366 = arith.subi %sub3A_364, %sub3A_365 : i32
    %add3A_367 = arith.addi %sub3A_363, %sub3A_366 : i32
    %div3A_368 = arith.constant 1 : i32
    %div3A_369 = arith.divsi %add3A_367, %div3A_368 : i32
    %while3A = arith.constant 1 : i32
    %while3A_370 = arith.constant 0 : i32
    %while3A_371 = arith.constant 0 : i32
    %while3A_372 = arith.subi %div3A_369, %while3A_371 : i32
    %while3A_373 = arith.addi %while3A_371, %while3A_372 : i32
    %while3A_374 = arith.constant 1 : i32
    %while3A_375 = arith.divsi %while3A_372, %while3A_374 : i32
    %while3A_376 = arith.muli %while3A_375, %while3A_374 : i32
    %while3A_377 = arith.addi %while3A_371, %while3A_376 : i32
    %while3A_378 = arith.constant 1 : i32
    scf.for %while3A_399 = %while3A_371 to %while3A_377 step %while3A_378  : i32 {
      %mul3A_400 = arith.muli %while3A_399, %while3A : i32
      %add3A_401 = arith.addi %while3A_370, %mul3A_400 : i32
      %mul3A_402 = arith.constant 16 : i32
      %mul3A_403 = arith.muli %add3A_401, %mul3A_402 : i32
      %get3A = arith.index_cast %mul3A_403 : i32 to index
      %get3A_404 = tpu.vector_load %arg10[%get3A] {strides = array<i32>} : memref<65552xi32, #tpu.memory_space<vmem>>, vector<16xi32>,
      %dma_start3A = arith.constant 0 : i32
      %dma_start3A_405 = arith.constant 0 : i32
      %dma_start3A_406 = tpu.memref_slice %arg5[%dma_start3A, %dma_start3A_405] : memref<131072x512xf32, #tpu.memory_space<hbm>> -> memref<131072x512xf32, #tpu.memory_space<hbm>>
      tpu.enqueue_indirect_dma source(%arg8 : memref<16x512xf32, #tpu.memory_space<vmem>>) target(%dma_start3A_406 : memref<131072x512xf32, #tpu.memory_space<hbm>>) offsets(%get3A_404 : vector<16xi32>) semaphore(%arg12 : memref<!tpu.dma_semaphore, #tpu.memory_space<semaphore_mem>>)
    }
    %while3A_379 = arith.constant 1 : i32
    scf.for %while3A_399 = %while3A_377 to %while3A_373 step %while3A_379  : i32 {
      %mul3A_400 = arith.muli %while3A_399, %while3A : i32
      %add3A_401 = arith.addi %while3A_370, %mul3A_400 : i32
      %mul3A_402 = arith.constant 16 : i32
      %mul3A_403 = arith.muli %add3A_401, %mul3A_402 : i32
      %get3A = arith.index_cast %mul3A_403 : i32 to index
      %get3A_404 = tpu.vector_load %arg10[%get3A] {strides = array<i32>} : memref<65552xi32, #tpu.memory_space<vmem>>, vector<16xi32>,
      %dma_start3A = arith.constant 0 : i32
      %dma_start3A_405 = arith.constant 0 : i32
      %dma_start3A_406 = tpu.memref_slice %arg5[%dma_start3A, %dma_start3A_405] : memref<131072x512xf32, #tpu.memory_space<hbm>> -> memref<131072x512xf32, #tpu.memory_space<hbm>>
      tpu.enqueue_indirect_dma source(%arg8 : memref<16x512xf32, #tpu.memory_space<vmem>>) target(%dma_start3A_406 : memref<131072x512xf32, #tpu.memory_space<hbm>>) offsets(%get3A_404 : vector<16xi32>) semaphore(%arg12 : memref<!tpu.dma_semaphore, #tpu.memory_space<semaphore_mem>>)
    }
    %sub3A_380 = arith.constant 0 : i32
    %sub3A_381 = arith.subi %div3A_361, %sub3A_380 : i32
    %sub3A_382 = arith.constant 1 : i32
    %sub3A_383 = arith.constant 1 : i32
    %sub3A_384 = arith.subi %sub3A_382, %sub3A_383 : i32
    %add3A_385 = arith.addi %sub3A_381, %sub3A_384 : i32
    %div3A_386 = arith.constant 1 : i32
    %div3A_387 = arith.divsi %add3A_385, %div3A_386 : i32
    %while3A_388 = arith.constant 1 : i32
    %while3A_389 = arith.constant 0 : i32
    %while3A_390 = arith.constant 0 : i32
    %while3A_391 = arith.subi %div3A_387, %while3A_390 : i32
    %while3A_392 = arith.addi %while3A_390, %while3A_391 : i32
    %while3A_393 = arith.constant 1 : i32
    %while3A_394 = arith.divsi %while3A_391, %while3A_393 : i32
    %while3A_395 = arith.muli %while3A_394, %while3A_393 : i32
    %while3A_396 = arith.addi %while3A_390, %while3A_395 : i32
    %while3A_397 = arith.constant 1 : i32
    scf.for %while3A_399 = %while3A_390 to %while3A_396 step %while3A_397  : i32 {
      %mul3A_400 = arith.muli %while3A_399, %while3A_388 : i32
      %add3A_401 = arith.addi %while3A_389, %mul3A_400 : i32
      %get3A = arith.constant 0 : index
      %get3A_402 = tpu.vector_load %arg10[%get3A] {strides = array<i32>} : memref<65552xi32, #tpu.memory_space<vmem>>, vector<16xi32>,
      %dma_wait3A = arith.constant 0 : i32
      %dma_wait3A_403 = arith.constant 0 : i32
      %dma_wait3A_404 = tpu.memref_slice %arg5[%dma_wait3A, %dma_wait3A_403] : memref<131072x512xf32, #tpu.memory_space<hbm>> -> memref<131072x512xf32, #tpu.memory_space<hbm>>
      tpu.wait_indirect_dma semaphore(%arg12 : memref<!tpu.dma_semaphore, #tpu.memory_space<semaphore_mem>>) src(%arg8 : memref<16x512xf32, #tpu.memory_space<vmem>>) dst(%dma_wait3A_404 : memref<131072x512xf32, #tpu.memory_space<hbm>>)
    }
    %while3A_398 = arith.constant 1 : i32
    scf.for %while3A_399 = %while3A_396 to %while3A_392 step %while3A_398  : i32 {
      %mul3A_400 = arith.muli %while3A_399, %while3A_388 : i32
      %add3A_401 = arith.addi %while3A_389, %mul3A_400 : i32
      %get3A = arith.constant 0 : index
      %get3A_402 = tpu.vector_load %arg10[%get3A] {strides = array<i32>} : memref<65552xi32, #tpu.memory_space<vmem>>, vector<16xi32>,
      %dma_wait3A = arith.constant 0 : i32
      %dma_wait3A_403 = arith.constant 0 : i32
      %dma_wait3A_404 = tpu.memref_slice %arg5[%dma_wait3A, %dma_wait3A_403] : memref<131072x512xf32, #tpu.memory_space<hbm>> -> memref<131072x512xf32, #tpu.memory_space<hbm>>
      tpu.wait_indirect_dma semaphore(%arg12 : memref<!tpu.dma_semaphore, #tpu.memory_space<semaphore_mem>>) src(%arg8 : memref<16x512xf32, #tpu.memory_space<vmem>>) dst(%dma_wait3A_404 : memref<131072x512xf32, #tpu.memory_space<hbm>>)
    }
    return
  }
}

</mosaic_0001>

<sc_bundles>
// kernel: kernel.3.cloned.1.call-start
scs
__scs_entry_jumppad:
0x0: {  	(pc) =	sbr.rel $0x88, $3  }
0x1: {  	(tag) =	ssettag $0x0;
	lr =	simm.s32 $0x1  }
0x2: {  	[smem:$0x3F9E] =	sst lr;
	_ =	strace $0xD0000000  }
0x3: {  	_ = 	snop  }
0x4: {  	_ = 	snop  }
0x5: {  	_ = 	snop  }
0x6: {  	_ = 	snop  }
0x7: {  	_ = 	snop  }
__scs_overlays_trampoline_lowered:
0x8: {  	[smem:$0x3FAD] =	sst s0  }
0x9: {  	[smem:$0x3FAE] =	sst s1  }
0xa: {  	[smem:$0x3FAF] =	sst s2  }
0xb: {  	[smem:$0x3FB0] =	sst s3  }
0xc: {  	[smem:$0x3FB1] =	sst s4  }
0xd: {  	[smem:$0x3FB2] =	sst s5  }
0xe: {  	[smem:$0x3FB3] =	sst s6  }
0xf: {  	[smem:$0x3FB4] =	sst s7  }
0x10: {  	[smem:$0x3FB5] =	sst s8  }
0x11: {  	[smem:$0x3FB6] =	sst s9;
	s0 =	simm.s32 @!p0 $0x0  }
0x12: {  	s1 =	sld [smem:$0x3F9C];
	s0 =	simm.s32 @p0 $0x1  }
0x13: {  	[smem:$0x3FB7] =	sst s0;
	s0 =	simm.s32 @!p1 $0x0  }
0x14: {  	s2 =	sld [smem:$0x3F9B];
	s0 =	simm.s32 @p1 $0x1  }
0x15: {  	[smem:$0x3FB8] =	sst s0;
	s0 =	simm.s32 @!p2 $0x0  }
0x16: {  	s3 =	sld [smem:$0x3FDB];
	s0 =	simm.s32 @p2 $0x1  }
0x17: {  	s4 =	simm.s32 $0x1BF5;
	[smem:$0x3FBA] =	sst s0  }
0x18: {  	s0 =	sld [smem:$0x3F9D];
	_ =	swait.ge [sflag:s4], $0x0  }
0x19: {  	s7 =	sld [smem:$0x3F9E]  }
0x1a: {  	s8 =	sadd.s32 $0xFFFFE003, lr  }
0x1b: {  	s9 =	sadd.s32 $0xFFFFFEF7, lr;
	s5 =	simm.s32 $0xFFFFFFFF;
	p2 =	slt.u32 s8, $0xFFFFF086  }
0x1c: {  	p1 =	slt.u32 s9, $0xF7A;
	s5 =	simm.s32 @!p2 $0x0  }
0x1d: {  	s5 =	simm.s32 @p1 $0x1;
	p0 =	seq.s32 s7, s2  }
0x1e: {  	s7 =	smul.u32 @!p0 $0xF7A, s2;
	p2 =	seq.s32 @!p0 s5, $0x0  }
0x1f: {  	s9 =	smul.u32 $0xF7A, s1;
	s8 =	simm.s32 @!p0 $0x1BF5;
	p2 =	por !p2, p0  }
0x20: {  	[sflag:s8] =	ssyncset.s32 @!p0 $0xFFFFF086;
	s6 =	sadd.s32 @!p0 s3, s7;
	s7 =	simm.s32 @!p0 $0x108  }
0x21: {  	s3 =	sadd.s32 s3, s9;
	s6 =	sadd.s32 @!p0 $0x88, s6;
	s7 =	simm.s32 @p2 $0x1082  }
0x22: {  	[simem:s7], [sflag:s8] =	dma.local @!p0 [hbm:s6], $0xF7A  }
0x23: {  	s9 =	sor.u32 $0xD0000000, s2;
	s6 =	simm.s32 $0x108;
	_ =	swait.ge @!p0 [sflag:s8], $0x0  }
0x24: {  	s3 =	sadd.s32 $0x88, s3;
	s6 =	simm.s32 @!p1 $0x1082;
	[sflag:s4] =	ssyncset.s32 $0xFFFFF086  }
0x25: {  	[simem:s6], [sflag:s4] =	dma.local [hbm:s3], $0xF7A  }
0x26: {  	[smem:$0x3F9E] =	sst s1;
	(tag) =	ssettag s2;
	_ =	strace s9  }
0x27: {  	s1 =	sld [smem:$0x3FAE]  }
0x28: {  	s2 =	sld [smem:$0x3FAF]  }
0x29: {  	s4 =	sld [smem:$0x3FB1]  }
0x2a: {  	p0 =	seq.s32 s5, $0x0;
	s5 =	sld [smem:$0x3FB2]  }
0x2b: {  	s6 =	sld [smem:$0x3FB3]  }
0x2c: {  	s7 =	sld [smem:$0x3FB4]  }
0x2d: {  	s3 =	simm.s32 $0x108;
	s8 =	sld [smem:$0x3FB5]  }
0x2e: {  	s3 =	simm.s32 @!p0 $0x1082;
	s9 =	sld [smem:$0x3FB6]  }
0x2f: {  	lr =	sadd.s32 s0, s3;
	s0 =	sld [smem:$0x3FAD]  }
0x30: {  	s3 =	sld [smem:$0x3FB0]  }
0x31: {  	[smem:$0x3FB9] =	sst s10  }
0x32: {  	s10 =	sld [smem:$0x3FB7];
	_ =	sdelay $0x3  }
0x33: {  	p0 =	seq.s32 s10, $0x1;
	s10 =	sld [smem:$0x3FB9];
	_ =	sdelay $0x3  }
0x34: {  	[smem:$0x3FB9] =	sst s10  }
0x35: {  	s10 =	sld [smem:$0x3FB8];
	_ =	sdelay $0x3  }
0x36: {  	p1 =	seq.s32 s10, $0x1;
	s10 =	sld [smem:$0x3FB9];
	_ =	sdelay $0x3  }
0x37: {  	[smem:$0x3FB9] =	sst s10  }
0x38: {  	s10 =	sld [smem:$0x3FBA]  }
0x39: {  	_ = 	snop;
	(pc) =	sbr.ind lr, $3  }
0x3a: {  	_ = 	snop  }
0x3b: {  	_ = 	snop  }
0x3c: {  	p2 =	seq.s32 s10, $0x1;
	s10 =	sld [smem:$0x3FB9]  }
0x3d: {  	_ =	shalt  }
0x3e: {  	_ =	shalt  }
0x3f: {  	_ =	shalt  }
0x40: {  	_ =	shalt  }
0x41: {  	_ =	shalt  }
0x42: {  	_ =	shalt  }
0x43: {  	_ =	shalt  }
0x44: {  	_ =	shalt  }
0x45: {  	_ =	shalt  }
0x46: {  	_ =	shalt  }
0x47: {  	_ =	shalt  }
0x48: {  	_ =	shalt  }
0x49: {  	_ =	shalt  }
0x4a: {  	_ =	shalt  }
0x4b: {  	_ =	shalt  }
0x4c: {  	_ =	shalt  }
0x4d: {  	_ =	shalt  }
0x4e: {  	_ =	shalt  }
0x4f: {  	_ =	shalt  }
0x50: {  	_ =	shalt  }
0x51: {  	_ =	shalt  }
0x52: {  	_ =	shalt  }
0x53: {  	_ =	shalt  }
0x54: {  	_ =	shalt  }
0x55: {  	_ =	shalt  }
0x56: {  	_ =	shalt  }
0x57: {  	_ =	shalt  }
0x58: {  	_ =	shalt  }
0x59: {  	_ =	shalt  }
0x5a: {  	_ =	shalt  }
0x5b: {  	_ =	shalt  }
0x5c: {  	_ =	shalt  }
0x5d: {  	_ =	shalt  }
0x5e: {  	_ =	shalt  }
0x5f: {  	_ =	shalt  }
0x60: {  	_ =	shalt  }
0x61: {  	_ =	shalt  }
0x62: {  	_ =	shalt  }
0x63: {  	_ =	shalt  }
0x64: {  	_ =	shalt  }
0x65: {  	_ =	shalt  }
0x66: {  	_ =	shalt  }
0x67: {  	_ =	shalt  }
0x68: {  	_ =	shalt  }
0x69: {  	_ =	shalt  }
0x6a: {  	_ =	shalt  }
0x6b: {  	_ =	shalt  }
0x6c: {  	_ =	shalt  }
0x6d: {  	_ =	shalt  }
0x6e: {  	_ =	shalt  }
0x6f: {  	_ =	shalt  }
0x70: {  	_ =	shalt  }
0x71: {  	_ =	shalt  }
0x72: {  	_ =	shalt  }
0x73: {  	_ =	shalt  }
0x74: {  	_ =	shalt  }
0x75: {  	_ =	shalt  }
0x76: {  	_ =	shalt  }
0x77: {  	_ =	shalt  }
0x78: {  	_ =	shalt  }
0x79: {  	_ =	shalt  }
0x7a: {  	_ =	shalt  }
0x7b: {  	_ =	shalt  }
0x7c: {  	_ =	shalt  }
0x7d: {  	_ =	shalt  }
0x7e: {  	_ =	shalt  }
0x7f: {  	_ =	shalt  }
0x80: {  	_ =	shalt  }
0x81: {  	_ =	shalt  }
0x82: {  	_ =	shalt  }
0x83: {  	_ =	shalt  }
0x84: {  	_ =	shalt  }
0x85: {  	_ =	shalt  }
0x86: {  	_ =	shalt  }
0x87: {  	_ =	shalt  }
.Lfunc_end0:
.L_simem_size_0:
called_computation_lowered:
.L_overlay_start_0:
0x88: {  	s2 =	sld [smem:$0x3FD9]  }
0x89: {  	s3 =	sld [smem:$0x3FFE];
	_ =	sdelay $0x1  }
0x8a: {  	s1 =	srdreg.scid  }
0x8b: {  	s0 =	sand.u32 $0x1, s1  }
0x8c: {  	s17 =	sshll.u32 s0, $0xA;
	s2 =	sadd.s32 s3, s2  }
0x8d: {  	s2 =	sadd.s32 s2, s17  }
0x8e: {  	[smem:$0x3FC5] =	sst s2  }
0x8f: {  	_ = 	snop  }
0x90: {  	s2 =	sld [smem:$0x3FC8]  }
0x91: {  	s18 =	sld [smem:$0x3FD0];
	(tm) =	ssettm $0x1  }
0x92: {  	s4 =	sld [smem:$0x3FFB];
	_ =	sdelay $0x3  }
0x93: {  	_ =	strace s4  }
0x94: {  	s4 =	sld [smem:$0x3FFC];
	_ =	sdelay $0x3  }
0x95: {  	_ =	strace s4  }
0x96: {  	s4 =	sld [smem:$0x3FFD];
	_ =	sdelay $0x3  }
0x97: {  	_ =	strace s4  }
0x98: {  	_ =	strace $0x8FFFFFFF  }
0x99: {  	s19 =	sld [smem:$0x3FDB];
	_ =	sdelay $0x1  }
0x9a: {  	s5 =	simm.s32 $_scs_section_size  }
0x9b: {  	s6 =	simm.s32 $_size__tile_overlayer_lowered;
	s7 =	simm.s32 $_tile_overlayer_lowered  }
0x9c: {  	s22 =	simm.s32 $0x1BFF;
	s21 =	sshll.u32 s7, $0x1;
	s4 =	sadd.s32 s5, s19  }
0x9d: {  	s8 =	simm.s32 $0x0;
	s20 =	sshll.u32 s6, $0x1;
	s6 =	sadd.s32 s21, s4  }
0x9e: {  	[timem:s8], [sflag:s22] =	dma.local [hbm:s6], s20  }
0x9f: {  	_ =	swait.ge [sflag:s22], s20  }
0xa0: {  	s5 =	ssub.s32 $0x0, s20;
	[sflag:s22] =	ssyncset.done $0x0  }
0xa1: {  	[sflag:s22] =	ssyncadd.s32 s5;
	_ =	sdelay $0x1  }
0xa2: {  	s23 =	simm.s32 $0x1B8B  }
0xa3: {  	_ =	swait.ge [sflag:s23], $0x1  }
0xa4: {  	[sflag:s23] =	ssyncset.done $0x0  }
0xa5: {  	s25 =	simm.s32 $0x1B8E;
	s24 =	sld [smem:$0x3FFE];
	[sflag:s23] =	ssyncadd.s32 $0xFFFFFFFF  }
0xa6: {  	s26 =	simm.s32 $execute0_lowered;
	[smem:$0x3FD2] =	sst s25  }
0xa7: {  	s6 =	sshll.u32 s26, $0x1;
	_ =	strace $0x80000046;
	[dreg:$0x1] =	wrdreg $0xFFFFFFFF  }
0xa8: {  	s28 =	simm.s32 $_size_execute0_lowered;
	s4 =	sadd.s32 s4, s6;
	[dreg:$0x0] =	wrdreg $0x0  }
0xa9: {  	s6 =	sshll.u32 s28, $0x1;
	[dreg:$0x2] =	wrdreg s4  }
0xaa: {  	[dreg:$0x3] =	wrdreg s6  }
0xab: {  	[dreg:$0x4] =	wrdreg $0xC0  }
0xac: {  	_ =	task [dreg:s8], $0x5FFFF  }
0xad: {  	[dreg:$0x1] =	wrdreg $0xFFFFFFFF  }
0xae: {  	[dreg:$0x0] =	wrdreg $0x60  }
0xaf: {  	[dreg:$0x2] =	wrdreg s24  }
0xb0: {  	[dreg:$0x3] =	wrdreg s2  }
0xb1: {  	[dreg:$0x4] =	wrdreg s18  }
0xb2: {  	[dreg:$0x5] =	wrdreg $0x9  }
0xb3: {  	_ =	task.clear_ibuf [dreg:s8], $0x6FFFF;
	_ =	strace $0x90000046  }
0xb4: {  	s29 =	simm.s32 $0x9;
	_ =	strace $0x80000048  }
0xb5: {  	_ =	swait.ge [sflag:s29], $0x1  }
0xb6: {  	[sflag:s29] =	ssyncadd.s32 $0xFFFFFFFF  }
0xb7: {  	_ =	strace $0x90000048  }
0xb8: {  	_ =	sfence  }
0xb9: {  	s30 =	sld [smem:$0x0];
	_ =	sdelay $0x2  }
0xba: {  	s31 =	sshll.u32 s1, $0xD;
	s1 =	sshrl.u32 s1, $0x2  }
0xbb: {  	s3 =	sand.u32 $0x4000, s31;
	s1 =	sadd.s32 s1, s30  }
0xbc: {  	s0 =	sor.u32 s3, s0;
	s1 =	sshll.u32 s1, $0x11  }
0xbd: {  	s0 =	sor.u32 s1, s0  }
0xbe: {  	s0 =	sadd.s32 $0x8F2B, s0  }
0xbf: {  	[sflag:s0] =	ssyncadd.remote.s32 $0x1  }
0xc0: {  	_ =	sfence.sel $0xFFFF  }
0xc1: {  	[dreg:$0x0] =	wrdreg $0xFFFFFFFF;
	(pc) =	sbr.abs _section_cstart, $3  }
0xc2: {  	[dreg:$0x1] =	wrdreg $0xFFFFFFFF  }
0xc3: {  	_ =	task.clear_ibuf [dreg:s8], $0x2FFFF;
	_ =	strace $0x9FFFFFFF  }
0xc4: {  	(tm) =	ssettm $0x7FFFFFFF  }
0xc5: {  	_ =	shalt  }
tec
execute0_lowered:
.L_overlay_start_1:
0x0: {  	(tag) =	ssettag $0x1  }
0x1: {  	v1 =	vlaneseq.u32;
	v34 =	vimm.s32 $0x0;
	vm0 =	vmmov $0xffff  }
0x2: {  	v3 =	vor.u32 $0x10, v1;
	v4 =	vor.u32 $0x20, v1;
	v5 =	vor.u32 $0x30, v1  }
0x3: {  	v6 =	vor.u32 $0x40, v1;
	v7 =	vor.u32 $0x50, v1;
	v8 =	vor.u32 $0x60, v1  }
0x4: {  	v9 =	vor.u32 $0x70, v1;
	v10 =	vor.u32 $0x80, v1;
	v11 =	vor.u32 $0x90, v1  }
0x5: {  	v12 =	vor.u32 $0xA0, v1;
	v13 =	vor.u32 $0xB0, v1;
	v14 =	vor.u32 $0xC0, v1  }
0x6: {  	v15 =	vor.u32 $0xD0, v1;
	v33 =	vmul.u32 $0xFFFFFFFF, v1;
	v16 =	vor.u32 $0xE0, v1  }
0x7: {  	v18 =	vor.u32 $0xF0, v1;
	v35 =	vor.u32 $0x10000, v1;
	v37 =	vshrl.u32 v1, $0x3  }
0x8: {  	s0 =	stileid.u32;
	v36 =	vand.u32 $0x7, v1;
	v37 =	vmul.u32 $0x8, v37;
	v19 =	vadd.s32 $0xEF, v33  }
0x9: {  	s1 =	srdreg.scid;
	s2 =	sshll.u32 s0, $0x1;
	v20 =	vadd.s32 $0xDF, v33;
	v21 =	vadd.s32 $0xCF, v33;
	v22 =	vadd.s32 $0xBF, v33  }
0xa: {  	s6 =	rddreg [dreg:$0x0];
	s5 =	sand.u32 $0x1, s1;
	s31 =	sand.u32 $0xE, s2;
	v23 =	vadd.s32 $0xAF, v33;
	v24 =	vadd.s32 $0x9F, v33;
	v25 =	vadd.s32 $0x8F, v33  }
0xb: {  	s3 =	rddreg [dreg:$0x2];
	s4 =	simm.s32 $0x0;
	s1 =	sor.u32 s5, s31;
	v26 =	vadd.s32 $0x7F, v33;
	v27 =	vadd.s32 $0x6F, v33;
	v28 =	vadd.s32 $0x5F, v33  }
0xc: {  	s10 =	simm.s32 $0x80;
	s11 =	simm.s32 $0x3;
	s12 =	simm.s32 $0x3080;
	v29 =	vadd.s32 $0x4F, v33;
	v30 =	vadd.s32 $0x3F, v33;
	v0 =	vmov s1  }
0xd: {  	s13 =	simm.s32 $0x1;
	s14 =	simm.s32 $0x5080;
	s15 =	simm.s32 $0x1080;
	v31 =	vadd.s32 $0x2F, v33;
	v32 =	vadd.s32 $0x1F, v33;
	v17 =	vshll.u32 v0, $0x8  }
0xe: {  	s16 =	simm.s32 $0x1880;
	s17 =	simm.s32 $0x2080;
	s18 =	simm.s32 $0x2880;
	v2 =	vor.u32 v1, v17;
	v3 =	vor.u32 v3, v17;
	v4 =	vor.u32 v4, v17  }
.Ltmp0:
0xf: {  	s19 =	simm.s32 $0x2;
	[smem:$0x7FF] =	sst s4;
	v5 =	vor.u32 v5, v17;
	v6 =	vor.u32 v6, v17;
	v7 =	vor.u32 v7, v17;
	(pc) =	sbr.rel .LBB2_1-.Ltmp0, $4  }
0x10: {  	s20 =	simm.s32 $0x0;
	s2 =	rddreg [dreg:$0x3];
	s7 =	ssub.s32 $0x2, s5;
	v8 =	vor.u32 v8, v17;
	v9 =	vor.u32 v9, v17;
	v10 =	vor.u32 v10, v17  }
0x11: {  	s5 =	sadd.s32 $0x400, s6;
	s6 =	sadd.s32 $0x600, s6;
	s8 =	sshrl.u32 s7, $0x1;
	v11 =	vor.u32 v11, v17;
	v12 =	vor.u32 v12, v17;
	v13 =	vor.u32 v13, v17  }
0x12: {  	s1 =	rddreg [dreg:$0x1];
	_ =	strace $0x80000047;
	s9 =	ssub.s32 s7, s8;
	v14 =	vor.u32 v14, v17;
	v15 =	vor.u32 v15, v17;
	v16 =	vor.u32 v16, v17  }
0x13: {  	s7 =	sand.u32 $0x8, s0;
	s8 =	sadd.s32 $0x100, s3;
	s9 =	smax.u32 s9, $0x1;
	v17 =	vor.u32 v18, v17;
	v18 =	vadd.s32 $0xFF, v33;
	v33 =	vadd.s32 $0xF, v33  }
.LBB2_10:
0x14: {  	[sflag:s19] =	ssyncadd.s32 $0xFFFFE000  }
.LBB2_11:
0x15: {  	s20 =	sadd.s32 $0x1, s20  }
0x16: {  	p0 =	sne.s32 s20, s9  }
.Ltmp1:
0x17: {  	_ = 	snop;
	(pc) =	sbr.rel @!p0 .LBB2_12-.Ltmp1, $1  }
0x18: {  	_ =	sdelay $0x3  }
.LBB2_1:
0x19: {  	[tilespmem:s10], [sflag:$0x3] =	stream.linear.gather [hbm4b:s5+s4], $0x1000, $0x38;
	[tilespmem:$0x15100] =	vst v63  }
0x1a: {  	_ =	swait.ge [sflag:s11], $0x1000  }
0x1b: {  	[sflag:s11] =	ssyncset.done $0x0  }
0x1c: {  	[sflag:s11] =	ssyncadd.s32 $0xFFFFF000  }
0x1d: {  	[tilespmem:s4], [sflag:$0x3] =	stream.linear.gather [hbm4b:s1+s4], $0x80, $0x38;
	[tilespmem:$0x15100] =	vst v63  }
0x1e: {  	_ =	swait.ge [sflag:s11], $0x80  }
0x1f: {  	[sflag:s11] =	ssyncset.done $0x0  }
0x20: {  	[sflag:s11] =	ssyncadd.s32 $0xFFFFFF80  }
0x21: {  	v38 =	vld.idx.msk [tilespmem:v0+s4+$0x0], $0xffff;
	_ =	sdelay $0x4  }
0x22: {  	v38 =	vshll.u32 v38, $0x8  }
0x23: {  	v40 =	vld.idx.msk [tilespmem:v2+s10+$0x0], $0xffff;
	v39 =	vor.u32 v18, v38;
	_ =	sdelay $0x4  }
0x24: {  	v39 =	vld.idx.msk [tilespmem:v39+s10+$0x0], $0xffff;
	[tilespmem:$0x1080] =	vst v40  }
0x25: {  	[tilespmem:$0x1100] =	vst v40  }
0x26: {  	[tilespmem:$0x1180] =	vst v40  }
0x27: {  	[tilespmem:$0x1200] =	vst v40  }
0x28: {  	[tilespmem:$0x1280] =	vst v40  }
0x29: {  	[tilespmem:$0x1300] =	vst v40  }
0x2a: {  	[tilespmem:$0x1380] =	vst v40  }
0x2b: {  	[tilespmem:$0x1400] =	vst v40  }
0x2c: {  	[tilespmem:$0x2080] =	vst v40  }
0x2d: {  	[tilespmem:$0x2100] =	vst v40  }
0x2e: {  	[tilespmem:$0x2180] =	vst v40  }
0x2f: {  	[tilespmem:$0x2200] =	vst v40  }
0x30: {  	[tilespmem:$0x2280] =	vst v40  }
0x31: {  	[tilespmem:$0x2300] =	vst v40  }
0x32: {  	[tilespmem:$0x2380] =	vst v40  }
0x33: {  	[tilespmem:$0x2400] =	vst v40  }
0x34: {  	[tilespmem:$0x1880] =	vst v39  }
0x35: {  	[tilespmem:$0x1900] =	vst v39  }
0x36: {  	[tilespmem:$0x1980] =	vst v39  }
0x37: {  	[tilespmem:$0x1A00] =	vst v39  }
0x38: {  	[tilespmem:$0x1A80] =	vst v39  }
0x39: {  	[tilespmem:$0x1B00] =	vst v39  }
0x3a: {  	[tilespmem:$0x1B80] =	vst v39  }
0x3b: {  	[tilespmem:$0x1C00] =	vst v39  }
0x3c: {  	[tilespmem:$0x2880] =	vst v39  }
0x3d: {  	[tilespmem:$0x2900] =	vst v39  }
0x3e: {  	[tilespmem:$0x2980] =	vst v39  }
0x3f: {  	[tilespmem:$0x2A00] =	vst v39  }
0x40: {  	v50 =	vor.u32 v19, v38;
	[tilespmem:$0x2A80] =	vst v39  }
0x41: {  	[tilespmem:$0x2B00] =	vst v39  }
0x42: {  	[tilespmem:$0x2B80] =	vst v39  }
0x43: {  	[tilespmem:$0x2C00] =	vst v39  }
0x44: {  	v39 =	vld.idx.msk [tilespmem:v3+s10+$0x0], $0xffff  }
0x45: {  	v40 =	vld.idx.msk [tilespmem:v50+s10+$0x0], $0xffff;
	_ =	sdelay $0x3  }
0x46: {  	[tilespmem:$0x1090] =	vst v39  }
0x47: {  	[tilespmem:$0x1890] =	vst v40  }
0x48: {  	[tilespmem:$0x1110] =	vst v39  }
0x49: {  	[tilespmem:$0x1910] =	vst v40  }
0x4a: {  	[tilespmem:$0x1190] =	vst v39  }
0x4b: {  	[tilespmem:$0x1990] =	vst v40  }
0x4c: {  	[tilespmem:$0x1210] =	vst v39  }
0x4d: {  	[tilespmem:$0x1A10] =	vst v40  }
0x4e: {  	[tilespmem:$0x1290] =	vst v39  }
0x4f: {  	[tilespmem:$0x1A90] =	vst v40  }
0x50: {  	[tilespmem:$0x1310] =	vst v39  }
0x51: {  	[tilespmem:$0x1B10] =	vst v40  }
0x52: {  	[tilespmem:$0x1390] =	vst v39  }
0x53: {  	[tilespmem:$0x1B90] =	vst v40  }
0x54: {  	[tilespmem:$0x1410] =	vst v39  }
0x55: {  	[tilespmem:$0x1C10] =	vst v40  }
0x56: {  	[tilespmem:$0x2090] =	vst v39  }
0x57: {  	[tilespmem:$0x2890] =	vst v40  }
0x58: {  	[tilespmem:$0x2110] =	vst v39  }
0x59: {  	[tilespmem:$0x2910] =	vst v40  }
0x5a: {  	[tilespmem:$0x2190] =	vst v39  }
0x5b: {  	[tilespmem:$0x2990] =	vst v40  }
0x5c: {  	[tilespmem:$0x2210] =	vst v39  }
0x5d: {  	[tilespmem:$0x2A10] =	vst v40  }
0x5e: {  	[tilespmem:$0x2290] =	vst v39  }
0x5f: {  	[tilespmem:$0x2A90] =	vst v40  }
0x60: {  	[tilespmem:$0x2310] =	vst v39  }
0x61: {  	[tilespmem:$0x2390] =	vst v39  }
0x62: {  	v51 =	vor.u32 v20, v38;
	[tilespmem:$0x2410] =	vst v39  }
0x63: {  	[tilespmem:$0x2B10] =	vst v40  }
0x64: {  	[tilespmem:$0x2B90] =	vst v40  }
0x65: {  	[tilespmem:$0x2C10] =	vst v40  }
0x66: {  	v40 =	vld.idx.msk [tilespmem:v4+s10+$0x0], $0xffff  }
0x67: {  	v39 =	vld.idx.msk [tilespmem:v51+s10+$0x0], $0xffff;
	_ =	sdelay $0x3  }
0x68: {  	[tilespmem:$0x10A0] =	vst v40  }
0x69: {  	[tilespmem:$0x18A0] =	vst v39  }
0x6a: {  	[tilespmem:$0x1120] =	vst v40  }
0x6b: {  	[tilespmem:$0x1920] =	vst v39  }
0x6c: {  	[tilespmem:$0x11A0] =	vst v40  }
0x6d: {  	[tilespmem:$0x19A0] =	vst v39  }
0x6e: {  	[tilespmem:$0x1220] =	vst v40  }
0x6f: {  	[tilespmem:$0x1A20] =	vst v39  }
0x70: {  	[tilespmem:$0x12A0] =	vst v40  }
0x71: {  	[tilespmem:$0x1AA0] =	vst v39  }
0x72: {  	[tilespmem:$0x1320] =	vst v40  }
0x73: {  	[tilespmem:$0x1B20] =	vst v39  }
0x74: {  	[tilespmem:$0x13A0] =	vst v40  }
0x75: {  	[tilespmem:$0x1BA0] =	vst v39  }
0x76: {  	[tilespmem:$0x1420] =	vst v40  }
0x77: {  	[tilespmem:$0x1C20] =	vst v39  }
0x78: {  	[tilespmem:$0x20A0] =	vst v40  }
0x79: {  	[tilespmem:$0x28A0] =	vst v39  }
0x7a: {  	[tilespmem:$0x2120] =	vst v40  }
0x7b: {  	[tilespmem:$0x2920] =	vst v39  }
0x7c: {  	[tilespmem:$0x21A0] =	vst v40  }
0x7d: {  	[tilespmem:$0x29A0] =	vst v39  }
0x7e: {  	[tilespmem:$0x2220] =	vst v40  }
0x7f: {  	[tilespmem:$0x2A20] =	vst v39  }
0x80: {  	[tilespmem:$0x22A0] =	vst v40  }
0x81: {  	[tilespmem:$0x2AA0] =	vst v39  }
0x82: {  	[tilespmem:$0x2320] =	vst v40  }
0x83: {  	[tilespmem:$0x23A0] =	vst v40  }
0x84: {  	v52 =	vor.u32 v21, v38;
	[tilespmem:$0x2420] =	vst v40  }
0x85: {  	[tilespmem:$0x2B20] =	vst v39  }
0x86: {  	[tilespmem:$0x2BA0] =	vst v39  }
0x87: {  	[tilespmem:$0x2C20] =	vst v39  }
0x88: {  	v39 =	vld.idx.msk [tilespmem:v5+s10+$0x0], $0xffff  }
0x89: {  	v40 =	vld.idx.msk [tilespmem:v52+s10+$0x0], $0xffff;
	_ =	sdelay $0x3  }
0x8a: {  	[tilespmem:$0x10B0] =	vst v39  }
0x8b: {  	[tilespmem:$0x18B0] =	vst v40  }
0x8c: {  	[tilespmem:$0x1130] =	vst v39  }
0x8d: {  	[tilespmem:$0x1930] =	vst v40  }
0x8e: {  	[tilespmem:$0x11B0] =	vst v39  }
0x8f: {  	[tilespmem:$0x19B0] =	vst v40  }
0x90: {  	[tilespmem:$0x1230] =	vst v39  }
0x91: {  	[tilespmem:$0x1A30] =	vst v40  }
0x92: {  	[tilespmem:$0x12B0] =	vst v39  }
0x93: {  	[tilespmem:$0x1AB0] =	vst v40  }
0x94: {  	[tilespmem:$0x1330] =	vst v39  }
0x95: {  	[tilespmem:$0x1B30] =	vst v40  }
0x96: {  	[tilespmem:$0x13B0] =	vst v39  }
0x97: {  	[tilespmem:$0x1BB0] =	vst v40  }
0x98: {  	[tilespmem:$0x1430] =	vst v39  }
0x99: {  	[tilespmem:$0x1C30] =	vst v40  }
0x9a: {  	[tilespmem:$0x20B0] =	vst v39  }
0x9b: {  	[tilespmem:$0x28B0] =	vst v40  }
0x9c: {  	[tilespmem:$0x2130] =	vst v39  }
0x9d: {  	[tilespmem:$0x2930] =	vst v40  }
0x9e: {  	[tilespmem:$0x21B0] =	vst v39  }
0x9f: {  	[tilespmem:$0x29B0] =	vst v40  }
0xa0: {  	[tilespmem:$0x2230] =	vst v39  }
0xa1: {  	[tilespmem:$0x2A30] =	vst v40  }
0xa2: {  	[tilespmem:$0x22B0] =	vst v39  }
0xa3: {  	[tilespmem:$0x2AB0] =	vst v40  }
0xa4: {  	[tilespmem:$0x2330] =	vst v39  }
0xa5: {  	[tilespmem:$0x23B0] =	vst v39  }
0xa6: {  	v53 =	vor.u32 v22, v38;
	[tilespmem:$0x2430] =	vst v39  }
0xa7: {  	[tilespmem:$0x2B30] =	vst v40  }
0xa8: {  	[tilespmem:$0x2BB0] =	vst v40  }
0xa9: {  	[tilespmem:$0x2C30] =	vst v40  }
0xaa: {  	v40 =	vld.idx.msk [tilespmem:v6+s10+$0x0], $0xffff  }
0xab: {  	v39 =	vld.idx.msk [tilespmem:v53+s10+$0x0], $0xffff;
	_ =	sdelay $0x3  }
0xac: {  	[tilespmem:$0x10C0] =	vst v40  }
0xad: {  	[tilespmem:$0x18C0] =	vst v39  }
0xae: {  	[tilespmem:$0x1140] =	vst v40  }
0xaf: {  	[tilespmem:$0x1940] =	vst v39  }
0xb0: {  	[tilespmem:$0x11C0] =	vst v40  }
0xb1: {  	[tilespmem:$0x19C0] =	vst v39  }
0xb2: {  	[tilespmem:$0x1240] =	vst v40  }
0xb3: {  	[tilespmem:$0x1A40] =	vst v39  }
0xb4: {  	[tilespmem:$0x12C0] =	vst v40  }
0xb5: {  	[tilespmem:$0x1AC0] =	vst v39  }
0xb6: {  	[tilespmem:$0x1340] =	vst v40  }
0xb7: {  	[tilespmem:$0x1B40] =	vst v39  }
0xb8: {  	[tilespmem:$0x13C0] =	vst v40  }
0xb9: {  	[tilespmem:$0x1BC0] =	vst v39  }
0xba: {  	[tilespmem:$0x1440] =	vst v40  }
0xbb: {  	[tilespmem:$0x1C40] =	vst v39  }
0xbc: {  	[tilespmem:$0x20C0] =	vst v40  }
0xbd: {  	[tilespmem:$0x28C0] =	vst v39  }
0xbe: {  	[tilespmem:$0x2140] =	vst v40  }
0xbf: {  	[tilespmem:$0x2940] =	vst v39  }
0xc0: {  	[tilespmem:$0x21C0] =	vst v40  }
0xc1: {  	[tilespmem:$0x29C0] =	vst v39  }
0xc2: {  	[tilespmem:$0x2240] =	vst v40  }
0xc3: {  	[tilespmem:$0x2A40] =	vst v39  }
0xc4: {  	[tilespmem:$0x22C0] =	vst v40  }
0xc5: {  	[tilespmem:$0x2AC0] =	vst v39  }
0xc6: {  	[tilespmem:$0x2340] =	vst v40  }
0xc7: {  	[tilespmem:$0x23C0] =	vst v40  }
0xc8: {  	v54 =	vor.u32 v23, v38;
	[tilespmem:$0x2440] =	vst v40  }
0xc9: {  	[tilespmem:$0x2B40] =	vst v39  }
0xca: {  	[tilespmem:$0x2BC0] =	vst v39  }
0xcb: {  	[tilespmem:$0x2C40] =	vst v39  }
0xcc: {  	v39 =	vld.idx.msk [tilespmem:v7+s10+$0x0], $0xffff  }
0xcd: {  	v40 =	vld.idx.msk [tilespmem:v54+s10+$0x0], $0xffff;
	_ =	sdelay $0x3  }
0xce: {  	[tilespmem:$0x10D0] =	vst v39  }
0xcf: {  	[tilespmem:$0x18D0] =	vst v40  }
0xd0: {  	[tilespmem:$0x1150] =	vst v39  }
0xd1: {  	[tilespmem:$0x1950] =	vst v40  }
0xd2: {  	[tilespmem:$0x11D0] =	vst v39  }
0xd3: {  	[tilespmem:$0x19D0] =	vst v40  }
0xd4: {  	[tilespmem:$0x1250] =	vst v39  }
0xd5: {  	[tilespmem:$0x1A50] =	vst v40  }
0xd6: {  	[tilespmem:$0x12D0] =	vst v39  }
0xd7: {  	[tilespmem:$0x1AD0] =	vst v40  }
0xd8: {  	[tilespmem:$0x1350] =	vst v39  }
0xd9: {  	[tilespmem:$0x1B50] =	vst v40  }
0xda: {  	[tilespmem:$0x13D0] =	vst v39  }
0xdb: {  	[tilespmem:$0x1BD0] =	vst v40  }
0xdc: {  	[tilespmem:$0x1450] =	vst v39  }
0xdd: {  	[tilespmem:$0x1C50] =	vst v40  }
0xde: {  	[tilespmem:$0x20D0] =	vst v39  }
0xdf: {  	[tilespmem:$0x28D0] =	vst v40  }
0xe0: {  	[tilespmem:$0x2150] =	vst v39  }
0xe1: {  	[tilespmem:$0x2950] =	vst v40  }
0xe2: {  	[tilespmem:$0x21D0] =	vst v39  }
0xe3: {  	[tilespmem:$0x29D0] =	vst v40  }
0xe4: {  	[tilespmem:$0x2250] =	vst v39  }
0xe5: {  	[tilespmem:$0x2A50] =	vst v40  }
0xe6: {  	[tilespmem:$0x22D0] =	vst v39  }
0xe7: {  	[tilespmem:$0x2AD0] =	vst v40  }
0xe8: {  	[tilespmem:$0x2350] =	vst v39  }
0xe9: {  	[tilespmem:$0x23D0] =	vst v39  }
0xea: {  	v55 =	vor.u32 v24, v38;
	[tilespmem:$0x2450] =	vst v39  }
0xeb: {  	[tilespmem:$0x2B50] =	vst v40  }
0xec: {  	[tilespmem:$0x2BD0] =	vst v40  }
0xed: {  	[tilespmem:$0x2C50] =	vst v40  }
0xee: {  	v40 =	vld.idx.msk [tilespmem:v8+s10+$0x0], $0xffff  }
0xef: {  	v39 =	vld.idx.msk [tilespmem:v55+s10+$0x0], $0xffff;
	_ =	sdelay $0x3  }
0xf0: {  	[tilespmem:$0x10E0] =	vst v40  }
0xf1: {  	[tilespmem:$0x18E0] =	vst v39  }
0xf2: {  	[tilespmem:$0x1160] =	vst v40  }
0xf3: {  	[tilespmem:$0x1960] =	vst v39  }
0xf4: {  	[tilespmem:$0x11E0] =	vst v40  }
0xf5: {  	[tilespmem:$0x19E0] =	vst v39  }
0xf6: {  	[tilespmem:$0x1260] =	vst v40  }
0xf7: {  	[tilespmem:$0x1A60] =	vst v39  }
0xf8: {  	[tilespmem:$0x12E0] =	vst v40  }
0xf9: {  	[tilespmem:$0x1AE0] =	vst v39  }
0xfa: {  	[tilespmem:$0x1360] =	vst v40  }
0xfb: {  	[tilespmem:$0x1B60] =	vst v39  }
0xfc: {  	[tilespmem:$0x13E0] =	vst v40  }
0xfd: {  	[tilespmem:$0x1BE0] =	vst v39  }
0xfe: {  	[tilespmem:$0x1460] =	vst v40  }
0xff: {  	[tilespmem:$0x1C60] =	vst v39  }
0x100: {  	[tilespmem:$0x20E0] =	vst v40  }
0x101: {  	[tilespmem:$0x28E0] =	vst v39  }
0x102: {  	[tilespmem:$0x2160] =	vst v40  }
0x103: {  	[tilespmem:$0x2960] =	vst v39  }
0x104: {  	[tilespmem:$0x21E0] =	vst v40  }
0x105: {  	[tilespmem:$0x29E0] =	vst v39  }
0x106: {  	[tilespmem:$0x2260] =	vst v40  }
0x107: {  	[tilespmem:$0x2A60] =	vst v39  }
0x108: {  	[tilespmem:$0x22E0] =	vst v40  }
0x109: {  	[tilespmem:$0x2AE0] =	vst v39  }
0x10a: {  	[tilespmem:$0x2360] =	vst v40  }
0x10b: {  	[tilespmem:$0x23E0] =	vst v40  }
0x10c: {  	v56 =	vor.u32 v25, v38;
	[tilespmem:$0x2460] =	vst v40  }
0x10d: {  	[tilespmem:$0x2B60] =	vst v39  }
0x10e: {  	[tilespmem:$0x2BE0] =	vst v39  }
0x10f: {  	[tilespmem:$0x2C60] =	vst v39  }
0x110: {  	v39 =	vld.idx.msk [tilespmem:v9+s10+$0x0], $0xffff  }
0x111: {  	v40 =	vld.idx.msk [tilespmem:v56+s10+$0x0], $0xffff;
	_ =	sdelay $0x3  }
0x112: {  	[tilespmem:$0x10F0] =	vst v39  }
0x113: {  	[tilespmem:$0x18F0] =	vst v40  }
0x114: {  	[tilespmem:$0x1170] =	vst v39  }
0x115: {  	[tilespmem:$0x1970] =	vst v40  }
0x116: {  	[tilespmem:$0x11F0] =	vst v39  }
0x117: {  	[tilespmem:$0x19F0] =	vst v40  }
0x118: {  	[tilespmem:$0x1270] =	vst v39  }
0x119: {  	[tilespmem:$0x1A70] =	vst v40  }
0x11a: {  	[tilespmem:$0x12F0] =	vst v39  }
0x11b: {  	[tilespmem:$0x1AF0] =	vst v40  }
0x11c: {  	[tilespmem:$0x1370] =	vst v39  }
0x11d: {  	[tilespmem:$0x1B70] =	vst v40  }
0x11e: {  	[tilespmem:$0x13F0] =	vst v39  }
0x11f: {  	[tilespmem:$0x1BF0] =	vst v40  }
0x120: {  	[tilespmem:$0x1470] =	vst v39  }
0x121: {  	[tilespmem:$0x1C70] =	vst v40  }
0x122: {  	[tilespmem:$0x20F0] =	vst v39  }
0x123: {  	[tilespmem:$0x28F0] =	vst v40  }
0x124: {  	[tilespmem:$0x2170] =	vst v39  }
0x125: {  	[tilespmem:$0x2970] =	vst v40  }
0x126: {  	[tilespmem:$0x21F0] =	vst v39  }
0x127: {  	[tilespmem:$0x29F0] =	vst v40  }
0x128: {  	[tilespmem:$0x2270] =	vst v39  }
0x129: {  	[tilespmem:$0x2A70] =	vst v40  }
0x12a: {  	[tilespmem:$0x22F0] =	vst v39  }
0x12b: {  	[tilespmem:$0x2AF0] =	vst v40  }
0x12c: {  	[tilespmem:$0x2370] =	vst v39  }
0x12d: {  	[tilespmem:$0x23F0] =	vst v39  }
0x12e: {  	v57 =	vor.u32 v26, v38;
	[tilespmem:$0x2470] =	vst v39  }
0x12f: {  	[tilespmem:$0x2B70] =	vst v40  }
0x130: {  	[tilespmem:$0x2BF0] =	vst v40  }
0x131: {  	[tilespmem:$0x2C70] =	vst v40  }
0x132: {  	v40 =	vld.idx.msk [tilespmem:v10+s10+$0x0], $0xffff  }
0x133: {  	v39 =	vld.idx.msk [tilespmem:v57+s10+$0x0], $0xffff;
	_ =	sdelay $0x3  }
0x134: {  	[tilespmem:$0x1480] =	vst v40  }
0x135: {  	[tilespmem:$0x1C80] =	vst v39  }
0x136: {  	[tilespmem:$0x1500] =	vst v40  }
0x137: {  	[tilespmem:$0x1D00] =	vst v39  }
0x138: {  	[tilespmem:$0x1580] =	vst v40  }
0x139: {  	[tilespmem:$0x1D80] =	vst v39  }
0x13a: {  	[tilespmem:$0x1600] =	vst v40  }
0x13b: {  	[tilespmem:$0x1E00] =	vst v39  }
0x13c: {  	[tilespmem:$0x1680] =	vst v40  }
0x13d: {  	[tilespmem:$0x1E80] =	vst v39  }
0x13e: {  	[tilespmem:$0x1700] =	vst v40  }
0x13f: {  	[tilespmem:$0x1F00] =	vst v39  }
0x140: {  	[tilespmem:$0x1780] =	vst v40  }
0x141: {  	[tilespmem:$0x1F80] =	vst v39  }
0x142: {  	[tilespmem:$0x1800] =	vst v40  }
0x143: {  	[tilespmem:$0x2000] =	vst v39  }
0x144: {  	[tilespmem:$0x2480] =	vst v40  }
0x145: {  	[tilespmem:$0x2C80] =	vst v39  }
0x146: {  	[tilespmem:$0x2500] =	vst v40  }
0x147: {  	[tilespmem:$0x2D00] =	vst v39  }
0x148: {  	[tilespmem:$0x2580] =	vst v40  }
0x149: {  	[tilespmem:$0x2D80] =	vst v39  }
0x14a: {  	[tilespmem:$0x2600] =	vst v40  }
0x14b: {  	[tilespmem:$0x2E00] =	vst v39  }
0x14c: {  	[tilespmem:$0x2680] =	vst v40  }
0x14d: {  	[tilespmem:$0x2E80] =	vst v39  }
0x14e: {  	[tilespmem:$0x2700] =	vst v40  }
0x14f: {  	[tilespmem:$0x2780] =	vst v40  }
0x150: {  	v58 =	vor.u32 v27, v38;
	[tilespmem:$0x2800] =	vst v40  }
0x151: {  	[tilespmem:$0x2F00] =	vst v39  }
0x152: {  	[tilespmem:$0x2F80] =	vst v39  }
0x153: {  	[tilespmem:$0x3000] =	vst v39  }
0x154: {  	v39 =	vld.idx.msk [tilespmem:v11+s10+$0x0], $0xffff  }
0x155: {  	v40 =	vld.idx.msk [tilespmem:v58+s10+$0x0], $0xffff;
	_ =	sdelay $0x3  }
0x156: {  	[tilespmem:$0x1490] =	vst v39  }
0x157: {  	[tilespmem:$0x1C90] =	vst v40  }
0x158: {  	[tilespmem:$0x1510] =	vst v39  }
0x159: {  	[tilespmem:$0x1D10] =	vst v40  }
0x15a: {  	[tilespmem:$0x1590] =	vst v39  }
0x15b: {  	[tilespmem:$0x1D90] =	vst v40  }
0x15c: {  	[tilespmem:$0x1610] =	vst v39  }
0x15d: {  	[tilespmem:$0x1E10] =	vst v40  }
0x15e: {  	[tilespmem:$0x1690] =	vst v39  }
0x15f: {  	[tilespmem:$0x1E90] =	vst v40  }
0x160: {  	[tilespmem:$0x1710] =	vst v39  }
0x161: {  	[tilespmem:$0x1F10] =	vst v40  }
0x162: {  	[tilespmem:$0x1790] =	vst v39  }
0x163: {  	[tilespmem:$0x1F90] =	vst v40  }
0x164: {  	[tilespmem:$0x1810] =	vst v39  }
0x165: {  	[tilespmem:$0x2010] =	vst v40  }
0x166: {  	[tilespmem:$0x2490] =	vst v39  }
0x167: {  	[tilespmem:$0x2C90] =	vst v40  }
0x168: {  	[tilespmem:$0x2510] =	vst v39  }
0x169: {  	[tilespmem:$0x2D10] =	vst v40  }
0x16a: {  	[tilespmem:$0x2590] =	vst v39  }
0x16b: {  	[tilespmem:$0x2D90] =	vst v40  }
0x16c: {  	[tilespmem:$0x2610] =	vst v39  }
0x16d: {  	[tilespmem:$0x2E10] =	vst v40  }
0x16e: {  	[tilespmem:$0x2690] =	vst v39  }
0x16f: {  	[tilespmem:$0x2E90] =	vst v40  }
0x170: {  	[tilespmem:$0x2710] =	vst v39  }
0x171: {  	[tilespmem:$0x2790] =	vst v39  }
0x172: {  	v59 =	vor.u32 v28, v38;
	[tilespmem:$0x2810] =	vst v39  }
0x173: {  	[tilespmem:$0x2F10] =	vst v40  }
0x174: {  	[tilespmem:$0x2F90] =	vst v40  }
0x175: {  	[tilespmem:$0x3010] =	vst v40  }
0x176: {  	v40 =	vld.idx.msk [tilespmem:v12+s10+$0x0], $0xffff  }
0x177: {  	v39 =	vld.idx.msk [tilespmem:v59+s10+$0x0], $0xffff;
	_ =	sdelay $0x3  }
0x178: {  	[tilespmem:$0x14A0] =	vst v40  }
0x179: {  	[tilespmem:$0x1CA0] =	vst v39  }
0x17a: {  	[tilespmem:$0x1520] =	vst v40  }
0x17b: {  	[tilespmem:$0x1D20] =	vst v39  }
0x17c: {  	[tilespmem:$0x15A0] =	vst v40  }
0x17d: {  	[tilespmem:$0x1DA0] =	vst v39  }
0x17e: {  	[tilespmem:$0x1620] =	vst v40  }
0x17f: {  	[tilespmem:$0x1E20] =	vst v39  }
0x180: {  	[tilespmem:$0x16A0] =	vst v40  }
0x181: {  	[tilespmem:$0x1EA0] =	vst v39  }
0x182: {  	[tilespmem:$0x1720] =	vst v40  }
0x183: {  	[tilespmem:$0x1F20] =	vst v39  }
0x184: {  	[tilespmem:$0x17A0] =	vst v40  }
0x185: {  	[tilespmem:$0x1FA0] =	vst v39  }
0x186: {  	[tilespmem:$0x1820] =	vst v40  }
0x187: {  	[tilespmem:$0x2020] =	vst v39  }
0x188: {  	[tilespmem:$0x24A0] =	vst v40  }
0x189: {  	[tilespmem:$0x2CA0] =	vst v39  }
0x18a: {  	[tilespmem:$0x2520] =	vst v40  }
0x18b: {  	[tilespmem:$0x2D20] =	vst v39  }
0x18c: {  	[tilespmem:$0x25A0] =	vst v40  }
0x18d: {  	[tilespmem:$0x2DA0] =	vst v39  }
0x18e: {  	[tilespmem:$0x2620] =	vst v40  }
0x18f: {  	[tilespmem:$0x2E20] =	vst v39  }
0x190: {  	[tilespmem:$0x26A0] =	vst v40  }
0x191: {  	[tilespmem:$0x2EA0] =	vst v39  }
0x192: {  	[tilespmem:$0x2720] =	vst v40  }
0x193: {  	[tilespmem:$0x27A0] =	vst v40  }
0x194: {  	v60 =	vor.u32 v29, v38;
	[tilespmem:$0x2820] =	vst v40  }
0x195: {  	[tilespmem:$0x2F20] =	vst v39  }
0x196: {  	[tilespmem:$0x2FA0] =	vst v39  }
0x197: {  	[tilespmem:$0x3020] =	vst v39  }
0x198: {  	v39 =	vld.idx.msk [tilespmem:v13+s10+$0x0], $0xffff  }
0x199: {  	v40 =	vld.idx.msk [tilespmem:v60+s10+$0x0], $0xffff;
	_ =	sdelay $0x3  }
0x19a: {  	[tilespmem:$0x14B0] =	vst v39  }
0x19b: {  	[tilespmem:$0x1CB0] =	vst v40  }
0x19c: {  	[tilespmem:$0x1530] =	vst v39  }
0x19d: {  	[tilespmem:$0x1D30] =	vst v40  }
0x19e: {  	[tilespmem:$0x15B0] =	vst v39  }
0x19f: {  	[tilespmem:$0x1DB0] =	vst v40  }
0x1a0: {  	[tilespmem:$0x1630] =	vst v39  }
0x1a1: {  	[tilespmem:$0x1E30] =	vst v40  }
0x1a2: {  	[tilespmem:$0x16B0] =	vst v39  }
0x1a3: {  	[tilespmem:$0x1EB0] =	vst v40  }
0x1a4: {  	[tilespmem:$0x1730] =	vst v39  }
0x1a5: {  	[tilespmem:$0x1F30] =	vst v40  }
0x1a6: {  	[tilespmem:$0x17B0] =	vst v39  }
0x1a7: {  	[tilespmem:$0x1FB0] =	vst v40  }
0x1a8: {  	[tilespmem:$0x1830] =	vst v39  }
0x1a9: {  	[tilespmem:$0x2030] =	vst v40  }
0x1aa: {  	[tilespmem:$0x24B0] =	vst v39  }
0x1ab: {  	[tilespmem:$0x2CB0] =	vst v40  }
0x1ac: {  	[tilespmem:$0x2530] =	vst v39  }
0x1ad: {  	[tilespmem:$0x2D30] =	vst v40  }
0x1ae: {  	[tilespmem:$0x25B0] =	vst v39  }
0x1af: {  	[tilespmem:$0x2DB0] =	vst v40  }
0x1b0: {  	[tilespmem:$0x2630] =	vst v39  }
0x1b1: {  	[tilespmem:$0x2E30] =	vst v40  }
0x1b2: {  	[tilespmem:$0x26B0] =	vst v39  }
0x1b3: {  	[tilespmem:$0x2EB0] =	vst v40  }
0x1b4: {  	[tilespmem:$0x2730] =	vst v39  }
0x1b5: {  	[tilespmem:$0x27B0] =	vst v39  }
0x1b6: {  	v61 =	vor.u32 v30, v38;
	[tilespmem:$0x2830] =	vst v39  }
0x1b7: {  	[tilespmem:$0x2F30] =	vst v40  }
0x1b8: {  	[tilespmem:$0x2FB0] =	vst v40  }
0x1b9: {  	[tilespmem:$0x3030] =	vst v40  }
0x1ba: {  	v40 =	vld.idx.msk [tilespmem:v14+s10+$0x0], $0xffff  }
0x1bb: {  	v39 =	vld.idx.msk [tilespmem:v61+s10+$0x0], $0xffff;
	_ =	sdelay $0x3  }
0x1bc: {  	[tilespmem:$0x14C0] =	vst v40  }
0x1bd: {  	[tilespmem:$0x1CC0] =	vst v39  }
0x1be: {  	[tilespmem:$0x1540] =	vst v40  }
0x1bf: {  	[tilespmem:$0x1D40] =	vst v39  }
0x1c0: {  	[tilespmem:$0x15C0] =	vst v40  }
0x1c1: {  	[tilespmem:$0x1DC0] =	vst v39  }
0x1c2: {  	[tilespmem:$0x1640] =	vst v40  }
0x1c3: {  	[tilespmem:$0x1E40] =	vst v39  }
0x1c4: {  	[tilespmem:$0x16C0] =	vst v40  }
0x1c5: {  	[tilespmem:$0x1EC0] =	vst v39  }
0x1c6: {  	[tilespmem:$0x1740] =	vst v40  }
0x1c7: {  	[tilespmem:$0x1F40] =	vst v39  }
0x1c8: {  	[tilespmem:$0x17C0] =	vst v40  }
0x1c9: {  	[tilespmem:$0x1FC0] =	vst v39  }
0x1ca: {  	[tilespmem:$0x1840] =	vst v40  }
0x1cb: {  	[tilespmem:$0x2040] =	vst v39  }
0x1cc: {  	[tilespmem:$0x24C0] =	vst v40  }
0x1cd: {  	[tilespmem:$0x2CC0] =	vst v39  }
0x1ce: {  	[tilespmem:$0x2540] =	vst v40  }
0x1cf: {  	[tilespmem:$0x2D40] =	vst v39  }
0x1d0: {  	[tilespmem:$0x25C0] =	vst v40  }
0x1d1: {  	[tilespmem:$0x2DC0] =	vst v39  }
0x1d2: {  	[tilespmem:$0x2640] =	vst v40  }
0x1d3: {  	[tilespmem:$0x2E40] =	vst v39  }
0x1d4: {  	[tilespmem:$0x26C0] =	vst v40  }
0x1d5: {  	[tilespmem:$0x2EC0] =	vst v39  }
0x1d6: {  	[tilespmem:$0x2740] =	vst v40  }
0x1d7: {  	[tilespmem:$0x27C0] =	vst v40  }
0x1d8: {  	v62 =	vor.u32 v31, v38;
	[tilespmem:$0x2840] =	vst v40  }
0x1d9: {  	[tilespmem:$0x2F40] =	vst v39  }
0x1da: {  	[tilespmem:$0x2FC0] =	vst v39  }
0x1db: {  	[tilespmem:$0x3040] =	vst v39  }
0x1dc: {  	v39 =	vld.idx.msk [tilespmem:v15+s10+$0x0], $0xffff  }
0x1dd: {  	v40 =	vld.idx.msk [tilespmem:v62+s10+$0x0], $0xffff;
	_ =	sdelay $0x3  }
0x1de: {  	[tilespmem:$0x14D0] =	vst v39  }
0x1df: {  	[tilespmem:$0x1CD0] =	vst v40  }
0x1e0: {  	[tilespmem:$0x1550] =	vst v39  }
0x1e1: {  	[tilespmem:$0x1D50] =	vst v40  }
0x1e2: {  	[tilespmem:$0x15D0] =	vst v39  }
0x1e3: {  	[tilespmem:$0x1DD0] =	vst v40  }
0x1e4: {  	[tilespmem:$0x1650] =	vst v39  }
0x1e5: {  	[tilespmem:$0x1E50] =	vst v40  }
0x1e6: {  	[tilespmem:$0x16D0] =	vst v39  }
0x1e7: {  	[tilespmem:$0x1ED0] =	vst v40  }
0x1e8: {  	[tilespmem:$0x1750] =	vst v39  }
0x1e9: {  	[tilespmem:$0x1F50] =	vst v40  }
0x1ea: {  	[tilespmem:$0x17D0] =	vst v39  }
0x1eb: {  	[tilespmem:$0x1FD0] =	vst v40  }
0x1ec: {  	[tilespmem:$0x1850] =	vst v39  }
0x1ed: {  	[tilespmem:$0x2050] =	vst v40  }
0x1ee: {  	[tilespmem:$0x24D0] =	vst v39  }
0x1ef: {  	[tilespmem:$0x2CD0] =	vst v40  }
0x1f0: {  	[tilespmem:$0x2550] =	vst v39  }
0x1f1: {  	[tilespmem:$0x2D50] =	vst v40  }
0x1f2: {  	[tilespmem:$0x25D0] =	vst v39  }
0x1f3: {  	[tilespmem:$0x2DD0] =	vst v40  }
0x1f4: {  	[tilespmem:$0x2650] =	vst v39  }
0x1f5: {  	[tilespmem:$0x2E50] =	vst v40  }
0x1f6: {  	[tilespmem:$0x26D0] =	vst v39  }
0x1f7: {  	[tilespmem:$0x2ED0] =	vst v40  }
0x1f8: {  	[tilespmem:$0x2750] =	vst v39  }
0x1f9: {  	[tilespmem:$0x27D0] =	vst v39  }
0x1fa: {  	v63 =	vor.u32 v32, v38;
	[tilespmem:$0x2850] =	vst v39  }
0x1fb: {  	[tilespmem:$0x2F50] =	vst v40  }
0x1fc: {  	[tilespmem:$0x2FD0] =	vst v40  }
0x1fd: {  	[tilespmem:$0x3050] =	vst v40  }
0x1fe: {  	v40 =	vld.idx.msk [tilespmem:v16+s10+$0x0], $0xffff  }
0x1ff: {  	v39 =	vld.idx.msk [tilespmem:v63+s10+$0x0], $0xffff;
	_ =	sdelay $0x3  }
0x200: {  	[tilespmem:$0x14E0] =	vst v40  }
0x201: {  	[tilespmem:$0x1CE0] =	vst v39  }
0x202: {  	[tilespmem:$0x1560] =	vst v40  }
0x203: {  	[tilespmem:$0x1D60] =	vst v39  }
0x204: {  	[tilespmem:$0x15E0] =	vst v40  }
0x205: {  	[tilespmem:$0x1DE0] =	vst v39  }
0x206: {  	[tilespmem:$0x1660] =	vst v40  }
0x207: {  	[tilespmem:$0x1E60] =	vst v39  }
0x208: {  	[tilespmem:$0x16E0] =	vst v40  }
0x209: {  	[tilespmem:$0x1EE0] =	vst v39  }
0x20a: {  	[tilespmem:$0x1760] =	vst v40  }
0x20b: {  	[tilespmem:$0x1F60] =	vst v39  }
0x20c: {  	[tilespmem:$0x17E0] =	vst v40  }
0x20d: {  	[tilespmem:$0x1FE0] =	vst v39  }
0x20e: {  	[tilespmem:$0x1860] =	vst v40  }
0x20f: {  	[tilespmem:$0x2060] =	vst v39  }
0x210: {  	[tilespmem:$0x24E0] =	vst v40  }
0x211: {  	[tilespmem:$0x2CE0] =	vst v39  }
0x212: {  	[tilespmem:$0x2560] =	vst v40  }
0x213: {  	[tilespmem:$0x2D60] =	vst v39  }
0x214: {  	[tilespmem:$0x25E0] =	vst v40  }
0x215: {  	[tilespmem:$0x2DE0] =	vst v39  }
0x216: {  	[tilespmem:$0x2660] =	vst v40  }
0x217: {  	[tilespmem:$0x2E60] =	vst v39  }
0x218: {  	[tilespmem:$0x26E0] =	vst v40  }
0x219: {  	[tilespmem:$0x2EE0] =	vst v39  }
0x21a: {  	[tilespmem:$0x2760] =	vst v40  }
0x21b: {  	[tilespmem:$0x2F60] =	vst v39  }
0x21c: {  	v38 =	vor.u32 v33, v38;
	[tilespmem:$0x27E0] =	vst v40  }
0x21d: {  	[tilespmem:$0x2FE0] =	vst v39  }
0x21e: {  	[tilespmem:$0x2860] =	vst v40  }
0x21f: {  	[tilespmem:$0x3060] =	vst v39  }
0x220: {  	v39 =	vld.idx.msk [tilespmem:v17+s10+$0x0], $0xffff  }
0x221: {  	v38 =	vld.idx.msk [tilespmem:v38+s10+$0x0], $0xffff;
	_ =	sdelay $0x3  }
0x222: {  	[tilespmem:$0x14F0] =	vst v39  }
0x223: {  	[tilespmem:$0x1CF0] =	vst v38  }
0x224: {  	[tilespmem:$0x1570] =	vst v39  }
0x225: {  	[tilespmem:$0x1D70] =	vst v38  }
0x226: {  	[tilespmem:$0x15F0] =	vst v39  }
0x227: {  	[tilespmem:$0x1DF0] =	vst v38  }
0x228: {  	[tilespmem:$0x1670] =	vst v39  }
0x229: {  	[tilespmem:$0x1E70] =	vst v38  }
0x22a: {  	[tilespmem:$0x16F0] =	vst v39  }
0x22b: {  	[tilespmem:$0x1EF0] =	vst v38  }
0x22c: {  	[tilespmem:$0x1770] =	vst v39  }
0x22d: {  	[tilespmem:$0x1F70] =	vst v38  }
0x22e: {  	[tilespmem:$0x17F0] =	vst v39  }
0x22f: {  	[tilespmem:$0x1FF0] =	vst v38  }
0x230: {  	[tilespmem:$0x1870] =	vst v39  }
0x231: {  	[tilespmem:$0x2070] =	vst v38  }
0x232: {  	[tilespmem:$0x24F0] =	vst v39  }
0x233: {  	[tilespmem:$0x2CF0] =	vst v38  }
0x234: {  	[tilespmem:$0x2570] =	vst v39  }
0x235: {  	[tilespmem:$0x2D70] =	vst v38  }
0x236: {  	[tilespmem:$0x25F0] =	vst v39  }
0x237: {  	[tilespmem:$0x2DF0] =	vst v38  }
0x238: {  	[tilespmem:$0x2670] =	vst v39  }
0x239: {  	[tilespmem:$0x2E70] =	vst v38  }
0x23a: {  	[tilespmem:$0x26F0] =	vst v39  }
0x23b: {  	[tilespmem:$0x2EF0] =	vst v38  }
0x23c: {  	[tilespmem:$0x2770] =	vst v39  }
0x23d: {  	[tilespmem:$0x2F70] =	vst v38  }
0x23e: {  	[tilespmem:$0x27F0] =	vst v39  }
0x23f: {  	[tilespmem:$0x2FF0] =	vst v38  }
0x240: {  	[tilespmem:$0x2870] =	vst v39  }
0x241: {  	s21 =	simm.s32 $0x0;
	v40 =	vimm.s32 $0x0;
	[tilespmem:$0x3070] =	vst v38  }
.LBB2_2:
0x242: {  	s22 =	sor.u32 s7, s21  }
0x243: {  	s23 =	sshll.u32 s22, $0xA  }
0x244: {  	s23 =	sadd.s32 s6, s23  }
0x245: {  	[tilespmem:s12], [sflag:$0x1] =	stream.linear.gather [hbm4b:s23+s4], $0x2000, $0x38;
	[tilespmem:$0x15100] =	vst v63  }
0x246: {  	_ =	swait.ge [sflag:s13], $0x2000  }
0x247: {  	[sflag:s13] =	ssyncset.done $0x0  }
0x248: {  	s31 =	simm.s32 $0x30C0;
	[sflag:s13] =	ssyncadd.s32 $0xFFFFE000  }
0x249: {  	v38 =	vld [tilespmem:s31+$0xFFFFFFC0]  }
0x24a: {  	v39 =	vld [tilespmem:s31+$0xFFFFFFD0]  }
0x24b: {  	v41 =	vld [tilespmem:s31+$0xFFFFFFE0]  }
0x24c: {  	v42 =	vld [tilespmem:s31+$0xFFFFFFF0]  }
0x24d: {  	v43 =	vld [tilespmem:s31+$0x0]  }
0x24e: {  	v54 =	vld [tilespmem:s31+$0x10];
	_ =	sdelay $0x1  }
0x24f: {  	v55 =	vld [tilespmem:s31+$0x20]  }
0x250: {  	v56 =	vld [tilespmem:s31+$0x30];
	vm1 =	veq.s32 v38, v0;
	vm7 =	veq.s32 v39, v0  }
0x251: {  	s22 =	sshll.u32 s22, $0xD;
	vm5 =	veq.s32 v41, v0;
	vm6 =	veq.s32 v42, v0;
	vm4 =	veq.s32 v43, v0  }
0x252: {  	vm3 =	veq.s32 v54, v0;
	v38 =	vor.u32 s22, v1;
	v44 =	vsel vm1, $0x1, v34  }
0x253: {  	v45 =	vmpcnt.ones.xlane vm1;
	v46 =	vsel vm7, $0x1, v34;
	v47 =	vmpcnt.ones.xlane vm7;
	(xrf0) =	vadd.scan.msk.s32 $0xffff, v44  }
0x254: {  	vm2 =	veq.s32 v55, v0;
	v57 =	vmpcnt.ones.xlane vm5;
	v58 =	vmpcnt.ones.xlane vm6;
	(xrf0) =	vadd.scan.msk.s32 $0xffff, v46  }
0x255: {  	vm8 =	veq.s32 v56, v0;
	v59 =	vmpcnt.ones.xlane vm4;
	v60 =	vmpcnt.ones.xlane vm3  }
0x256: {  	v61 =	vsel vm5, $0x1, v34;
	v48 =	vmpcnt.ones.xlane vm2;
	v44 =	vadd.s32 v40, v45  }
0x257: {  	v62 =	vsel vm6, $0x1, v34;
	v63 =	vmpcnt.ones.xlane vm8;
	v42 =	vadd.s32 v44, v47;
	(xrf0) =	vadd.scan.msk.s32 $0xffff, v61  }
0x258: {  	v50 =	vsel vm4, $0x1, v34;
	v51 =	vsel vm3, $0x1, v34;
	v43 =	vadd.s32 v42, v57  }
0x259: {  	s22 =	simm.s32 $0x3140;
	v52 =	vsel vm2, $0x1, v34;
	v53 =	vadd.s32 $0x50, v38;
	v46 =	vadd.s32 v43, v58;
	v49, _, _ =	vpop (xrf0)  }
0x25a: {  	v54 =	vld [tilespmem:s22+$0xFFFFFFC0];
	v55 =	vadd.s32 $0x60, v38;
	v58 =	vsel vm8, $0x1, v34;
	v45 =	vadd.s32 v46, v59;
	(xrf0) =	vadd.scan.msk.s32 $0xffff, v62;
	v56, _, _ =	vpop (xrf0)  }
0x25b: {  	v47 =	vadd.s32 v45, v60;
	(xrf0) =	vadd.scan.msk.s32 $0xffff, v50;
	v57 =	vadd.s32 v49, v40;
	v44 =	vadd.s32 v56, v44;
	v56 =	vld [tilespmem:s22+$0xFFFFFFD0]  }
0x25c: {  	v41 =	vadd.s32 v47, v48;
	v49 =	vadd.s32 $0x10, v38;
	(xrf0) =	vadd.scan.msk.s32 $0xffff, v51;
	v40 =	vadd.s32 $0xFFFFFFFF, v57;
	v57 =	vld [tilespmem:s22+$0xFFFFFFE0]  }
0x25d: {  	v50 =	vadd.s32 $0x20, v38;
	v39 =	vadd.s32 v41, v63;
	v51 =	vadd.s32 $0x30, v38;
	v59, _, _ =	vpop (xrf0)  }
0x25e: {  	v44 =	vadd.s32 $0xFFFFFFFF, v44;
	(xrf0) =	vadd.scan.msk.s32 $0xffff, v52;
	v40 =	vsel vm1, v40, v35;
	v42 =	vadd.s32 v59, v42  }
0x25f: {  	v44 =	vsel vm7, v44, v35;
	(xrf0) =	vadd.scan.msk.s32 $0xffff, v58;
	v42 =	vadd.s32 $0xFFFFFFFF, v42;
	vm7 =	veq.s32 v54, v0;
	v54 =	vld [tilespmem:s22+$0x0]  }
0x260: {  	vm1 =	vmmov vm8;
	v52 =	vadd.s32 $0x40, v38;
	v42 =	vsel vm5, v42, v35;
	v60, _, _ =	vpop (xrf0)  }
0x261: {  	v43 =	vadd.s32 v60, v43;
	v61, _, _ =	vpop (xrf0);
	vm8 =	veq.s32 v56, v0;
	vm5 =	veq.s32 v57, v0  }
0x262: {  	v58 =	vld [tilespmem:s22+$0xFFFFFFF0];
	v43 =	vadd.s32 $0xFFFFFFFF, v43;
	v46 =	vadd.s32 v61, v46;
	v62, _, _ =	vpop (xrf0);
	v61 =	vsel vm8, $0x1, v34  }
0x263: {  	v43 =	vsel vm6, v43, v35;
	v46 =	vadd.s32 $0xFFFFFFFF, v46;
	v45 =	vadd.s32 v62, v45  }
0x264: {  	v56 =	vld [tilespmem:s22+$0x20];
	v63, _, _ =	vpop (xrf0);
	vm6 =	veq.s32 v54, v0;
	v59 =	vsel vm4, v46, v35;
	v45 =	vadd.s32 $0xFFFFFFFF, v45  }
0x265: {  	[tilespmem:v44+s14+$0x0] =	vst.idx.msk $0xffff, v49;
	v44 =	vld [tilespmem:s22+$0x10];
	v46 =	vadd.s32 v63, v47;
	v48, _, _ =	vpop (xrf0);
	v63 =	vsel vm7, $0x1, v34;
	v60 =	vsel vm3, v45, v35  }
0x266: {  	v57 =	vld [tilespmem:s22+$0x30];
	[tilespmem:v40+s14+$0x0] =	vst.idx.msk $0xffff, v38;
	v62 =	vadd.s32 $0xFFFFFFFF, v46;
	v41 =	vadd.s32 v48, v41;
	v48 =	vmpcnt.ones.xlane vm7  }
0x267: {  	(xrf0) =	vadd.scan.msk.s32 $0xffff, v63;
	vm3 =	veq.s32 v58, v0;
	v49 =	vsel vm2, v62, v35;
	v62 =	vmpcnt.ones.xlane vm8  }
0x268: {  	v63 =	vmpcnt.ones.xlane vm5;
	v58 =	vmpcnt.ones.xlane vm6;
	(xrf0) =	vadd.scan.msk.s32 $0xffff, v61;
	v48 =	vadd.s32 v39, v48  }
0x269: {  	[tilespmem:v42+s14+$0x0] =	vst.idx.msk $0xffff, v50;
	v46 =	vadd.s32 $0xFFFFFFFF, v41;
	v50 =	vmpcnt.ones.xlane vm3;
	v47 =	vadd.s32 v48, v62  }
0x26a: {  	vm2 =	veq.s32 v56, v0;
	vm4 =	veq.s32 v44, v0;
	v45 =	vadd.s32 v47, v63  }
0x26b: {  	vm9 =	veq.s32 v57, v0;
	[tilespmem:v43+s14+$0x0] =	vst.idx.msk $0xffff, v51;
	v61 =	vmpcnt.ones.xlane vm4;
	v43 =	vadd.s32 v45, v50  }
0x26c: {  	v62 =	vmpcnt.ones.xlane vm2;
	v51 =	vsel vm6, $0x1, v34;
	v44 =	vmovc v38;
	[tilespmem:v59+s14+$0x0] =	vst.idx.msk $0xffff, v52;
	v41 =	vadd.s32 v43, v58  }
0x26d: {  	v63 =	vsel vm5, $0x1, v34;
	[tilespmem:v49+s14+$0x0] =	vst.idx.msk $0xffff, v55;
	v49 =	vmpcnt.ones.xlane vm9;
	v50, _, _ =	vpop (xrf0);
	v42 =	vadd.s32 v41, v61  }
0x26e: {  	s23 =	simm.s32 $0x8;
	[tilespmem:v60+s14+$0x0] =	vst.idx.msk $0xffff, v53;
	v53 =	vsel vm3, $0x1, v34;
	(xrf0) =	vadd.scan.msk.s32 $0xffff, v63;
	v52, _, _ =	vpop (xrf0);
	v40 =	vadd.s32 v42, v62  }
.LBB2_3:
0x26f: {  	s23 =	sadd.s32 $0x8, s23;
	v54 =	vsel vm4, $0x1, v34;
	v55 =	vsel vm2, $0x1, v34;
	v49 =	vadd.s32 v40, v49;
	(xrf0) =	vadd.scan.msk.s32 $0xffff, v53  }
0x270: {  	v50 =	vadd.s32 v50, v39;
	v48 =	vadd.s32 v52, v48;
	v52 =	vsel vm9, $0x1, v34;
	p0 =	slt.u32 s23, $0x1F8;
	(xrf0) =	vadd.scan.msk.s32 $0xffff, v51;
	v39 =	vmovc v49  }
0x271: {  	v46 =	vsel vm1, v46, v35;
	v50 =	vadd.s32 $0xFFFFFFFF, v50;
	v48 =	vadd.s32 $0xFFFFFFFF, v48;
	(xrf0) =	vadd.scan.msk.s32 $0xffff, v54  }
0x272: {  	v38 =	vadd.s32 $0x80, v38;
	v50 =	vsel vm7, v50, v35;
	v48 =	vsel vm8, v48, v35;
	(xrf0) =	vadd.scan.msk.s32 $0xffff, v55  }
0x273: {  	vm1 =	vmmov vm9;
	v51 =	vadd.s32 $0x10, v38;
	(xrf0) =	vadd.scan.msk.s32 $0xffff, v52  }
0x274: {  	v53 =	vadd.s32 $0x30, v38;
	v54 =	vadd.s32 $0x40, v38;
	v52 =	vadd.s32 $0x20, v38;
	v55, _, _ =	vpop (xrf0)  }
0x275: {  	s22 =	sadd.s32 $0x80, s22;
	v44 =	vadd.s32 $0x70, v44;
	v47 =	vadd.s32 v55, v47;
	v55 =	vadd.s32 $0x50, v38;
	v56, _, _ =	vpop (xrf0)  }
0x276: {  	v57 =	vld [tilespmem:s22+$0xFFFFFFC0];
	v47 =	vadd.s32 $0xFFFFFFFF, v47;
	v60 =	vadd.s32 v56, v45;
	v56 =	vadd.s32 $0x60, v38;
	v58, _, _ =	vpop (xrf0);
	[tilespmem:v46+s14+$0x0] =	vst.idx.msk $0xffff, v44  }
0x277: {  	v59 =	vld [tilespmem:s22+$0xFFFFFFD0];
	[tilespmem:v50+s14+$0x0] =	vst.idx.msk $0xffff, v38;
	v47 =	vsel vm5, v47, v35;
	v46 =	vadd.s32 $0xFFFFFFFF, v60;
	v43 =	vadd.s32 v58, v43;
	v45, _, _ =	vpop (xrf0)  }
0x278: {  	v50 =	vld [tilespmem:s22+$0xFFFFFFE0];
	[tilespmem:v48+s14+$0x0] =	vst.idx.msk $0xffff, v51;
	v51 =	vsel vm3, v46, v35;
	v43 =	vadd.s32 $0xFFFFFFFF, v43;
	v41 =	vadd.s32 v45, v41;
	v44, _, _ =	vpop (xrf0)  }
0x279: {  	v45 =	vld [tilespmem:s22+$0xFFFFFFF0];
	v43 =	vsel vm6, v43, v35;
	v41 =	vadd.s32 $0xFFFFFFFF, v41;
	v42 =	vadd.s32 v44, v42;
	v44, _, _ =	vpop (xrf0)  }
0x27a: {  	v58 =	vld [tilespmem:s22+$0x0];
	v41 =	vsel vm4, v41, v35;
	v42 =	vadd.s32 $0xFFFFFFFF, v42;
	v40 =	vadd.s32 v44, v40;
	v44 =	vmovc v38  }
0x27b: {  	vm7 =	veq.s32 v57, v0;
	v57 =	vld [tilespmem:s22+$0x10];
	v42 =	vsel vm2, v42, v35;
	v46 =	vadd.s32 $0xFFFFFFFF, v40  }
0x27c: {  	v40 =	vsel vm7, $0x1, v34;
	v48 =	vmpcnt.ones.xlane vm7;
	vm8 =	veq.s32 v59, v0;
	v59 =	vld [tilespmem:s22+$0x20];
	[tilespmem:v47+s14+$0x0] =	vst.idx.msk $0xffff, v52  }
0x27d: {  	v47 =	vsel vm8, $0x1, v34;
	v52 =	vmpcnt.ones.xlane vm8;
	vm5 =	veq.s32 v50, v0;
	v50 =	vld [tilespmem:s22+$0x30];
	(xrf0) =	vadd.scan.msk.s32 $0xffff, v40  }
0x27e: {  	v48 =	vadd.s32 v49, v48;
	v40 =	vmpcnt.ones.xlane vm5;
	vm3 =	veq.s32 v45, v0;
	(xrf0) =	vadd.scan.msk.s32 $0xffff, v47  }
0x27f: {  	v47 =	vadd.s32 v48, v52;
	v49 =	vmpcnt.ones.xlane vm3;
	vm6 =	veq.s32 v58, v0;
	[tilespmem:v51+s14+$0x0] =	vst.idx.msk $0xffff, v53  }
.Ltmp2:
0x280: {  	v45 =	vadd.s32 v47, v40;
	v40 =	vmpcnt.ones.xlane vm6;
	vm4 =	veq.s32 v57, v0;
	[tilespmem:v43+s14+$0x0] =	vst.idx.msk $0xffff, v54;
	(pc) =	sbr.rel @p0 .LBB2_3-.Ltmp2, $4  }
0x281: {  	v43 =	vadd.s32 v45, v49;
	v49 =	vmpcnt.ones.xlane vm4;
	vm2 =	veq.s32 v59, v0;
	[tilespmem:v41+s14+$0x0] =	vst.idx.msk $0xffff, v55  }
0x282: {  	v41 =	vadd.s32 v43, v40;
	v40 =	vmpcnt.ones.xlane vm2;
	vm9 =	veq.s32 v50, v0;
	[tilespmem:v42+s14+$0x0] =	vst.idx.msk $0xffff, v56  }
0x283: {  	v54 =	vsel vm5, $0x1, v34;
	v42 =	vadd.s32 v41, v49;
	v49 =	vmpcnt.ones.xlane vm9;
	v50, _, _ =	vpop (xrf0)  }
0x284: {  	v53 =	vsel vm3, $0x1, v34;
	v51 =	vsel vm6, $0x1, v34;
	v40 =	vadd.s32 v42, v40;
	v52, _, _ =	vpop (xrf0);
	(xrf0) =	vadd.scan.msk.s32 $0xffff, v54  }
0x285: {  	(xrf0) =	vadd.scan.msk.s32 $0xffff, v53  }
0x286: {  	v58 =	vsel vm4, $0x1, v34;
	(xrf0) =	vadd.scan.msk.s32 $0xffff, v51  }
0x287: {  	v59 =	vsel vm2, $0x1, v34;
	(xrf0) =	vadd.scan.msk.s32 $0xffff, v58  }
0x288: {  	v39 =	vadd.s32 v50, v39;
	v48 =	vadd.s32 v52, v48;
	v60 =	vsel vm9, $0x1, v34;
	(xrf0) =	vadd.scan.msk.s32 $0xffff, v59  }
0x289: {  	v46 =	vsel vm1, v46, v35;
	v38 =	vadd.s32 $0x80, v38;
	vm1 =	vmmov vm9;
	(xrf0) =	vadd.scan.msk.s32 $0xffff, v60  }
0x28a: {  	v44 =	vadd.s32 $0x70, v44;
	v39 =	vadd.s32 $0xFFFFFFFF, v39;
	v48 =	vadd.s32 $0xFFFFFFFF, v48;
	v61, _, _ =	vpop (xrf0)  }
0x28b: {  	v62 =	vadd.s32 $0x10, v38;
	v39 =	vsel vm7, v39, v35;
	v47 =	vadd.s32 v61, v47;
	v63, _, _ =	vpop (xrf0)  }
0x28c: {  	v48 =	vsel vm8, v48, v35;
	v47 =	vadd.s32 $0xFFFFFFFF, v47;
	v45 =	vadd.s32 v63, v45;
	v52, _, _ =	vpop (xrf0)  }
0x28d: {  	v47 =	vsel vm5, v47, v35;
	v45 =	vadd.s32 $0xFFFFFFFF, v45;
	v43 =	vadd.s32 v52, v43;
	v53, _, _ =	vpop (xrf0)  }
0x28e: {  	v45 =	vsel vm3, v45, v35;
	v43 =	vadd.s32 $0xFFFFFFFF, v43;
	v41 =	vadd.s32 v53, v41;
	v54, _, _ =	vpop (xrf0)  }
0x28f: {  	[tilespmem:v46+s14+$0x0] =	vst.idx.msk $0xffff, v44;
	v43 =	vsel vm6, v43, v35;
	v41 =	vadd.s32 $0xFFFFFFFF, v41;
	v42 =	vadd.s32 v54, v42;
	v55, _, _ =	vpop (xrf0)  }
0x290: {  	[tilespmem:v39+s14+$0x0] =	vst.idx.msk $0xffff, v38;
	v56 =	vsel vm4, v41, v35;
	v57 =	vadd.s32 $0xFFFFFFFF, v42;
	v58 =	vadd.s32 v55, v40  }
0x291: {  	s21 =	sadd.s32 $0x1, s21;
	v59 =	vadd.s32 $0x20, v38;
	[tilespmem:v48+s14+$0x0] =	vst.idx.msk $0xffff, v62;
	v41 =	vsel vm2, v57, v35;
	v42 =	vadd.s32 $0xFFFFFFFF, v58  }
0x292: {  	p0 =	sne.s32 s21, $0x8;
	v60 =	vadd.s32 $0x30, v38;
	[tilespmem:v47+s14+$0x0] =	vst.idx.msk $0xffff, v59;
	v42 =	vsel vm1, v42, v35  }
.Ltmp3:
0x293: {  	v61 =	vadd.s32 $0x40, v38;
	[tilespmem:v45+s14+$0x0] =	vst.idx.msk $0xffff, v60;
	(pc) =	sbr.rel @p0 .LBB2_2-.Ltmp3, $4  }
0x294: {  	v62 =	vadd.s32 $0x50, v38;
	[tilespmem:v43+s14+$0x0] =	vst.idx.msk $0xffff, v61  }
0x295: {  	v63 =	vadd.s32 $0x60, v38;
	[tilespmem:v56+s14+$0x0] =	vst.idx.msk $0xffff, v62  }
0x296: {  	v38 =	vadd.s32 $0x70, v38;
	[tilespmem:v41+s14+$0x0] =	vst.idx.msk $0xffff, v63  }
0x297: {  	v40 =	vadd.s32 v40, v49;
	[tilespmem:v42+s14+$0x0] =	vst.idx.msk $0xffff, v38  }
0x298: {  	v38 =	vxor.u32 $0x80000000, v40  }
0x299: {  	(xrf0) =	vmax.scan.msk.u32 $0xffff, v38;
	_ =	sdelay $0x5  }
0x29a: {  	v38, _, _ =	vpop (xrf0)  }
0x29b: {  	(v2sf) =	vpush v38, $0xF;
	_ =	sdelay $0xe  }
0x29c: {  	s21 =	spop (v2sf)  }
0x29d: {  	s23 =	simm.s32 $0x5080;
	s21 =	sadd.s32 $0x8000000F, s21  }
0x29e: {  	v39 =	vadd.s32 v1, v40;
	v63 =	vld.msk [tilespmem:s23+$0x0], $0xffff;
	p0 =	slt.s32 s21, $0x10  }
.Ltmp4:
0x29f: {  	_ = 	snop;
	(pc) =	sbr.rel @p0 .LBB2_11-.Ltmp4, $4  }
0x2a0: {  	s22 =	sshra.s32 s21, $0x1F  }
0x2a1: {  	s22 =	sshrl.u32 s22, $0x1C  }
0x2a2: {  	s22 =	sadd.s32 s22, s21  }
0x2a3: {  	[tilespmem:v39+s23+$0x0] =	vst.idx.msk $0xffff, v63;
	s21 =	sshra.s32 s22, $0x4  }
0x2a4: {  	v38 =	vld [tilespmem:s23+$0x0];
	_ =	sdelay $0x4  }
0x2a5: {  	v39 =	vshll.u32 v38, $0x2  }
0x2a6: {  	v38 =	vand.u32 $0x7, v38;
	v39 =	vand.u32 $0xFFFFFFE0, v39  }
0x2a7: {  	v39 =	vor.u32 v38, v39  }
0x2a8: {  	v38 =	vperm.xlane v39, v36;
	_ =	sdelay $0x1  }
0x2a9: {  	v40 =	vadd.s32 v37, v38;
	_ =	sdelay $0x1  }
0x2aa: {  	v38 =	vor.u32 $0x8, v1  }
0x2ab: {  	v39 =	vperm.xlane v39, v38  }
0x2ac: {  	p0 =	sne.s32 s21, $0x1  }
0x2ad: {  	v39 =	vadd.s32 v37, v39;
	[hbm4b:s3+s4] =	stream.indirect_vreg.scatter [tilespmem:s15], [sflag:$0x2], $0x80, v40, vm0, $0xb8;
	[tilespmem:$0x15100] =	vst v63  }
.Ltmp5:
0x2ae: {  	_ = 	snop;
	(pc) =	sbr.rel @!p0 .LBB2_8-.Ltmp5, $4  }
0x2af: {  	_ = 	snop  }
0x2b0: {  	[hbm4b:s8+s4] =	stream.indirect_vreg.scatter [tilespmem:s16], [sflag:$0x2], $0x80, v40, vm0, $0xb8;
	[tilespmem:$0x15100] =	vst v63  }
0x2b1: {  	s22 =	sadd.s32 $0xFFFFFFFF, s21;
	s23 =	sadd.s32 $0x10, s23  }
0x2b2: {  	[hbm4b:s3+s4] =	stream.indirect_vreg.scatter [tilespmem:s17], [sflag:$0x2], $0x80, v39, vm0, $0xb8;
	[tilespmem:$0x15100] =	vst v63  }
.LBB2_7:
0x2b3: {  	[hbm4b:s8+s4] =	stream.indirect_vreg.scatter [tilespmem:s18], [sflag:$0x2], $0x80, v39, vm0, $0xb8;
	[tilespmem:$0x15100] =	vst v63  }
0x2b4: {  	p0 =	sne.s32 s22, $0x1;
	s22 =	sadd.s32 $0xFFFFFFFF, s22;
	v39 =	vld [tilespmem:s23+$0x0];
	_ =	sdelay $0x4  }
0x2b5: {  	v40 =	vshll.u32 v39, $0x2  }
0x2b6: {  	v39 =	vand.u32 $0x7, v39;
	v40 =	vand.u32 $0xFFFFFFE0, v40  }
0x2b7: {  	v39 =	vor.u32 v39, v40  }
0x2b8: {  	v40 =	vperm.xlane v39, v36;
	v39 =	vperm.xlane v39, v38;
	_ =	sdelay $0x1  }
0x2b9: {  	v40 =	vadd.s32 v37, v40;
	_ =	sdelay $0x3  }
0x2ba: {  	v39 =	vadd.s32 v37, v39  }
0x2bb: {  	[hbm4b:s3+s4] =	stream.indirect_vreg.scatter [tilespmem:s15], [sflag:$0x2], $0x80, v40, vm0, $0xb8;
	[tilespmem:$0x15100] =	vst v63  }
.Ltmp6:
0x2bc: {  	(pc) =	sbr.rel @p0 .LBB2_7-.Ltmp6, $4  }
0x2bd: {  	[hbm4b:s8+s4] =	stream.indirect_vreg.scatter [tilespmem:s16], [sflag:$0x2], $0x80, v40, vm0, $0xb8;
	[tilespmem:$0x15100] =	vst v63  }
0x2be: {  	_ = 	snop  }
0x2bf: {  	[hbm4b:s3+s4] =	stream.indirect_vreg.scatter [tilespmem:s17], [sflag:$0x2], $0x80, v39, vm0, $0xb8;
	[tilespmem:$0x15100] =	vst v63  }
0x2c0: {  	s23 =	sadd.s32 $0x10, s23  }
.LBB2_8:
0x2c1: {  	_ = 	snop  }
0x2c2: {  	p0 =	sne.s32 s21, $0x1  }
.Ltmp7:
0x2c3: {  	_ = 	snop;
	(pc) =	sbr.rel @!p0 .LBB2_10-.Ltmp7, $4  }
0x2c4: {  	_ = 	snop  }
0x2c5: {  	[hbm4b:s8+s4] =	stream.indirect_vreg.scatter [tilespmem:s18], [sflag:$0x2], $0x80, v39, vm0, $0xb8;
	[tilespmem:$0x15100] =	vst v63  }
0x2c6: {  	_ =	swait.ge [sflag:s19], $0x2000  }
0x2c7: {  	s21 =	sadd.s32 $0xFFFFFFFF, s21;
	[sflag:s19] =	ssyncset.done $0x0  }
.LBB2_9:
0x2c8: {  	p0 =	sne.s32 s21, $0x1;
	s21 =	sadd.s32 $0xFFFFFFFF, s21;
	[sflag:s19] =	ssyncadd.s32 $0xFFFFE000  }
.Ltmp8:
0x2c9: {  	(pc) =	sbr.rel @p0 .LBB2_9-.Ltmp8, $3  }
0x2ca: {  	_ =	sdelay $0x1  }
0x2cb: {  	_ =	swait.ge [sflag:s19], $0x2000  }
0x2cc: {  	[sflag:s19] =	ssyncset.done $0x0  }
.Ltmp9:
0x2cd: {  	_ = 	snop;
	(pc) =	sbr.rel .LBB2_10-.Ltmp9, $1  }
0x2ce: {  	_ =	sdelay $0x3  }
.LBB2_12:
0x2cf: {  	_ =	sfence.sel $0x180000  }
0x2d0: {  	[bflag:$0x0] =	sbarrier.arrive $0xFFFF  }
0x2d1: {  	p0 =	sne.s32 s0, $0x0;
	_ =	strace $0x90000047  }
0x2d2: {  	s0 =	sadd.s32 @!p0 $0x100000, s2;
	[bflag:$0x2] =	sbarrier.arrive $0xFFFF  }
0x2d3: {  	[sflag:s0] =	ssyncadd.tile.s32 @!p0 $0x1;
	_ =	shalt  }
.Lfunc_end2:
_tile_overlayer_lowered:
.L_overlay_start_2:
0x2d4: {  	(tag) =	ssettag $0x2  }
0x2d5: {  	s0 =	rddreg [dreg:$0x0];
	s2 =	stileid.u32  }
0x2d6: {  	s1 =	rddreg [dreg:$0x1];
	p0 =	sne.s32 s2, $0x0  }
0x2d7: {  	s3 =	rddreg [dreg:$0x2];
	[bflag:$0x3] =	sbarrier.arrive $0xFFFF;
	s2 =	simm.s32 @!p0 $0x1C03  }
0x2d8: {  	[timem:s3], [sflag:s2] =	dma.local @!p0 [hbm:s0], s1  }
0x2d9: {  	s0 =	simm.s32 @!p0 $0x3  }
0x2da: {  	_ =	swait.ge @!p0 [sflag:s0], s1  }
0x2db: {  	s1 =	ssub.s32 @!p0 $0x0, s1;
	[sflag:s0] =	ssyncset.done @!p0 $0x0  }
0x2dc: {  	[sflag:s0] =	ssyncadd.s32 @!p0 s1  }
0x2dd: {  	[bflag:$0x3] =	sbarrier.arrive $0xFFFF  }
0x2de: {  	_ =	shalt  }

</sc_bundles>
